<compile_context>
chip_gen: v7x
topology: tpu7x:2x2x1
jax: 0.10.2.dev20260603
libtpu: 0.0.44.dev20260713+nightly
codegen_flags: <defaults>
</compile_context>

<pallas_src>
import jax
import jax.numpy as jnp
from jax import lax
from jax.experimental import pallas as pl
from jax.experimental.pallas import tpu as pltpu
from jax.experimental.pallas import tpu_sc as plsc

B, L = 4096, 50
N_TOK = B * L
D_SOIL, D_CROP, D_WEATHER = 128, 64, 32
D_FEAT = D_SOIL + D_CROP + D_WEATHER
VOCAB = 1000
VPAD = 1024
NCH = 8

NC, NS, LANES = 2, 16, 16
NW = NC * NS
CHUNK = N_TOK // NW
GROUPS = CHUNK // LANES


def _project_body(es_ref, ec_ref, ew_ref, w_ref, b_ref, out_ref):
    w = w_ref[:]
    out_ref[0:VPAD, :] = (
        jnp.dot(es_ref[:], w[0:D_SOIL, :], preferred_element_type=jnp.float32)
        + b_ref[:]
    )
    out_ref[VPAD:2 * VPAD, :] = jnp.dot(
        ec_ref[:], w[D_SOIL:D_SOIL + D_CROP, :],
        preferred_element_type=jnp.float32)
    out_ref[2 * VPAD:3 * VPAD, :] = jnp.dot(
        ew_ref[:], w[D_SOIL + D_CROP:D_FEAT, :],
        preferred_element_type=jnp.float32)


_project = pl.pallas_call(
    _project_body,
    out_shape=jax.ShapeDtypeStruct((3 * VPAD, NCH), jnp.float32),
)


def _sc_body(p_hbm, s_hbm, c_hbm, w_hbm, o_hbm,
             p_v, s_v, c_v, w_v, o_v):
    wid = lax.axis_index("s") * NC + lax.axis_index("c")
    base = wid * CHUNK
    pltpu.sync_copy(p_hbm, p_v)
    pltpu.sync_copy(s_hbm.at[pl.ds(base, CHUNK)], s_v)
    pltpu.sync_copy(c_hbm.at[pl.ds(base, CHUNK)], c_v)
    pltpu.sync_copy(w_hbm.at[pl.ds(base, CHUNK)], w_v)

    @plsc.parallel_loop(0, GROUPS, 1, unroll=4)
    def _loop(g):
        off = g * LANES
        s8 = s_v[pl.ds(off, LANES)] * NCH
        c8 = c_v[pl.ds(off, LANES)] * NCH + VPAD * NCH
        w8 = w_v[pl.ds(off, LANES)] * NCH + 2 * VPAD * NCH
        ch = []
        for c in range(7):
            ch.append(plsc.load_gather(p_v, [s8 + c])
                      + plsc.load_gather(p_v, [c8 + c])
                      + plsc.load_gather(p_v, [w8 + c]))
        m = ch[1]
        for c in range(2, 7):
            m = jnp.maximum(m, ch[c])
        es = [jnp.exp(ch[c] - m) for c in range(1, 7)]
        tot = es[0]
        for e in es[1:]:
            tot = tot + e
        inv = 1.0 / tot
        o_v[pl.ds(off, LANES)] = ch[0]
        for j in range(6):
            o_v[pl.ds((j + 1) * CHUNK + off, LANES)] = es[j] * inv

    for c in range(7):
        pltpu.sync_copy(o_v.at[pl.ds(c * CHUNK, CHUNK)],
                        o_hbm.at[pl.ds(c * N_TOK + base, CHUNK)])


_sc_lookup = pl.kernel(
    _sc_body,
    out_type=jax.ShapeDtypeStruct((7 * N_TOK,), jnp.float32),
    mesh=plsc.VectorSubcoreMesh(core_axis_name="c", subcore_axis_name="s"),
    compiler_params=pltpu.CompilerParams(needs_layout_passes=False),
    scratch_types=[
        pltpu.VMEM((3 * VPAD * NCH,), jnp.float32),
        pltpu.VMEM((CHUNK,), jnp.int32),
        pltpu.VMEM((CHUNK,), jnp.int32),
        pltpu.VMEM((CHUNK,), jnp.int32),
        pltpu.VMEM((7 * CHUNK,), jnp.float32),
    ],
)


def kernel(soil_idx, crop_idx, weather_idx, E_soil, E_crop, E_weather,
           W_yield, b_yield, W_alloc, b_alloc):
    f32 = jnp.float32
    es = jnp.pad(E_soil, ((0, VPAD - VOCAB), (0, 0)))
    ec = jnp.pad(E_crop, ((0, VPAD - VOCAB), (0, 0)))
    ew = jnp.pad(E_weather, ((0, VPAD - VOCAB), (0, 0)))
    wcat = jnp.concatenate(
        [W_yield, W_alloc, jnp.zeros((D_FEAT, 1), f32)], axis=1)
    bcat = jnp.concatenate(
        [b_yield, b_alloc, jnp.zeros((1,), f32)]).reshape(1, NCH)
    p = _project(es, ec, ew, wcat, bcat).reshape(-1)
    si = soil_idx.reshape(-1).astype(jnp.int32)
    ci = crop_idx.reshape(-1).astype(jnp.int32)
    wi = weather_idx.reshape(-1).astype(jnp.int32)
    planes = _sc_lookup(p, si, ci, wi).reshape(7, B, L)
    y = planes[0].reshape(B, L, 1)
    a = jnp.einsum('dbl,dc->blc', planes[1:7], jnp.eye(6, dtype=f32))
    return y, a

# --- scband reference (transcript-rebuilt; emitter-appended) ---
"""Pipeline reference for scband-aifarming-model-30717606101546 (READ-ONLY COPY).

The authoritative reference and input builder live on the scoring server;
editing this copy changes nothing except your own understanding.
"""

import jax, jax.numpy as jnp
import numpy as np

B, L = 4096, 50
VOCAB = 1000
D_SOIL, D_CROP, D_WEATHER = 128, 64, 32
D_FEAT = D_SOIL + D_CROP + D_WEATHER

def setup_inputs(seed: int = 0) -> dict:
    key = jax.random.key(seed)
    ks = jax.random.split(key, 10)
    soil_idx = jax.random.randint(ks[0], (B, L), 0, VOCAB)
    crop_idx = jax.random.randint(ks[1], (B, L), 0, VOCAB)
    weather_idx = jax.random.randint(ks[2], (B, L), 0, VOCAB)
    E_soil = jax.random.normal(ks[3], (VOCAB, D_SOIL), dtype=jnp.float32) * 0.05
    E_crop = jax.random.normal(ks[4], (VOCAB, D_CROP), dtype=jnp.float32) * 0.05
    E_weather = jax.random.normal(ks[5], (VOCAB, D_WEATHER), dtype=jnp.float32) * 0.05
    W_yield = jax.random.normal(ks[6], (D_FEAT, 1), dtype=jnp.float32) * 0.05
    b_yield = jnp.zeros((1,), dtype=jnp.float32)
    W_alloc = jax.random.normal(ks[7], (D_FEAT, 6), dtype=jnp.float32) * 0.05
    b_alloc = jnp.zeros((6,), dtype=jnp.float32)
    return {"soil_idx": soil_idx, "crop_idx": crop_idx, "weather_idx": weather_idx,
            "E_soil": E_soil, "E_crop": E_crop, "E_weather": E_weather,
            "W_yield": W_yield, "b_yield": b_yield, "W_alloc": W_alloc, "b_alloc": b_alloc}

def reference(soil_idx, crop_idx, weather_idx, E_soil, E_crop, E_weather,
              W_yield, b_yield, W_alloc, b_alloc):
    # embedding lookups (gather)
    soil_emb = jnp.take(E_soil, soil_idx, axis=0)        # [B, L, 128]
    crop_emb = jnp.take(E_crop, crop_idx, axis=0)        # [B, L, 64]
    weather_emb = jnp.take(E_weather, weather_idx, axis=0)  # [B, L, 32]
    feat = jnp.concatenate([soil_emb, crop_emb, weather_emb], axis=-1)  # [B, L, 224]
    crop_yield = feat @ W_yield + b_yield                # [B, L, 1], linear
    resource_alloc = jax.nn.softmax(feat @ W_alloc + b_alloc, axis=-1)  # [B, L, 6]
    return (crop_yield, resource_alloc)

if __name__ == "__main__":
    import jax
    _d = setup_inputs()
    print(jax.jit(kernel)(*tuple(_d.values())))

</pallas_src>

<mosaic_0001>
#map = affine_map<(d0, d1) -> (0)>
module attributes {stable_mosaic.version = 14 : i64} {
  func.func @_sc_body(%arg0: i32, %arg1: i32, %arg2: memref<24576xf32, #tpu.memory_space<hbm>>, %arg3: memref<204800xi32, #tpu.memory_space<hbm>>, %arg4: memref<204800xi32, #tpu.memory_space<hbm>>, %arg5: memref<204800xi32, #tpu.memory_space<hbm>>, %arg6: memref<1433600xf32, #tpu.memory_space<hbm>>, %arg7: memref<24576xf32, #tpu.memory_space<vmem>>, %arg8: memref<6400xi32, #tpu.memory_space<vmem>>, %arg9: memref<6400xi32, #tpu.memory_space<vmem>>, %arg10: memref<6400xi32, #tpu.memory_space<vmem>>, %arg11: memref<44800xf32, #tpu.memory_space<vmem>>) attributes {dimension_semantics = [#tpu.dimension_semantics<core_parallel>, #tpu.dimension_semantics<subcore_parallel>], iteration_bounds = array<i64: 2, 16>, scalar_prefetch = 0 : i64, scratch_operands = 5 : i64, tpu.core_type = #tpu.core_type<sc_vector_subcore>, window_params = [{transform_indices = #map}, {transform_indices = #map}, {transform_indices = #map}, {transform_indices = #map}, {transform_indices = #map}]} {
    %mul3A = arith.constant 2 : i32
    %mul3A_0 = arith.muli %arg1, %mul3A : i32
    %add3A = arith.addi %mul3A_0, %arg0 : i32
    %mul3A_1 = arith.constant 6400 : i32
    %mul3A_2 = arith.muli %add3A, %mul3A_1 : i32
    "tpu.region"() ({
      %run_scoped3A = tpu.sem_alloc : memref<!tpu.dma_semaphore, #tpu.memory_space<semaphore_mem>>
      tpu.enqueue_dma source(%arg2 : memref<24576xf32, #tpu.memory_space<hbm>>) target(%arg7 : memref<24576xf32, #tpu.memory_space<vmem>>) target_semaphore(%run_scoped3A : memref<!tpu.dma_semaphore, #tpu.memory_space<semaphore_mem>>)
      tpu.wait_dma2 semaphore(%run_scoped3A : memref<!tpu.dma_semaphore, #tpu.memory_space<semaphore_mem>>) src(%arg2 : memref<24576xf32, #tpu.memory_space<hbm>>) dst(%arg7 : memref<24576xf32, #tpu.memory_space<vmem>>)
      tpu.yield
    }) : () -> ()
    "tpu.region"() ({
      %run_scoped3A = tpu.sem_alloc : memref<!tpu.dma_semaphore, #tpu.memory_space<semaphore_mem>>
      %dma_start3A = tpu.memref_slice %arg3[%mul3A_2] : memref<204800xi32, #tpu.memory_space<hbm>> -> memref<6400xi32, #tpu.memory_space<hbm>>
      %dma_start3A_19 = tpu.memref_slice %arg3[%mul3A_2] : memref<204800xi32, #tpu.memory_space<hbm>> -> memref<6400xi32, #tpu.memory_space<hbm>>
      tpu.enqueue_dma source(%dma_start3A_19 : memref<6400xi32, #tpu.memory_space<hbm>>) target(%arg8 : memref<6400xi32, #tpu.memory_space<vmem>>) target_semaphore(%run_scoped3A : memref<!tpu.dma_semaphore, #tpu.memory_space<semaphore_mem>>)
      %dma_wait3A = tpu.memref_slice %arg3[%mul3A_2] : memref<204800xi32, #tpu.memory_space<hbm>> -> memref<6400xi32, #tpu.memory_space<hbm>>
      %dma_wait3A_20 = tpu.memref_slice %arg3[%mul3A_2] : memref<204800xi32, #tpu.memory_space<hbm>> -> memref<6400xi32, #tpu.memory_space<hbm>>
      tpu.wait_dma2 semaphore(%run_scoped3A : memref<!tpu.dma_semaphore, #tpu.memory_space<semaphore_mem>>) src(%dma_wait3A_20 : memref<6400xi32, #tpu.memory_space<hbm>>) dst(%arg8 : memref<6400xi32, #tpu.memory_space<vmem>>)
      tpu.yield
    }) : () -> ()
    "tpu.region"() ({
      %run_scoped3A = tpu.sem_alloc : memref<!tpu.dma_semaphore, #tpu.memory_space<semaphore_mem>>
      %dma_start3A = tpu.memref_slice %arg4[%mul3A_2] : memref<204800xi32, #tpu.memory_space<hbm>> -> memref<6400xi32, #tpu.memory_space<hbm>>
      %dma_start3A_19 = tpu.memref_slice %arg4[%mul3A_2] : memref<204800xi32, #tpu.memory_space<hbm>> -> memref<6400xi32, #tpu.memory_space<hbm>>
      tpu.enqueue_dma source(%dma_start3A_19 : memref<6400xi32, #tpu.memory_space<hbm>>) target(%arg9 : memref<6400xi32, #tpu.memory_space<vmem>>) target_semaphore(%run_scoped3A : memref<!tpu.dma_semaphore, #tpu.memory_space<semaphore_mem>>)
      %dma_wait3A = tpu.memref_slice %arg4[%mul3A_2] : memref<204800xi32, #tpu.memory_space<hbm>> -> memref<6400xi32, #tpu.memory_space<hbm>>
      %dma_wait3A_20 = tpu.memref_slice %arg4[%mul3A_2] : memref<204800xi32, #tpu.memory_space<hbm>> -> memref<6400xi32, #tpu.memory_space<hbm>>
      tpu.wait_dma2 semaphore(%run_scoped3A : memref<!tpu.dma_semaphore, #tpu.memory_space<semaphore_mem>>) src(%dma_wait3A_20 : memref<6400xi32, #tpu.memory_space<hbm>>) dst(%arg9 : memref<6400xi32, #tpu.memory_space<vmem>>)
      tpu.yield
    }) : () -> ()
    "tpu.region"() ({
      %run_scoped3A = tpu.sem_alloc : memref<!tpu.dma_semaphore, #tpu.memory_space<semaphore_mem>>
      %dma_start3A = tpu.memref_slice %arg5[%mul3A_2] : memref<204800xi32, #tpu.memory_space<hbm>> -> memref<6400xi32, #tpu.memory_space<hbm>>
      %dma_start3A_19 = tpu.memref_slice %arg5[%mul3A_2] : memref<204800xi32, #tpu.memory_space<hbm>> -> memref<6400xi32, #tpu.memory_space<hbm>>
      tpu.enqueue_dma source(%dma_start3A_19 : memref<6400xi32, #tpu.memory_space<hbm>>) target(%arg10 : memref<6400xi32, #tpu.memory_space<vmem>>) target_semaphore(%run_scoped3A : memref<!tpu.dma_semaphore, #tpu.memory_space<semaphore_mem>>)
      %dma_wait3A = tpu.memref_slice %arg5[%mul3A_2] : memref<204800xi32, #tpu.memory_space<hbm>> -> memref<6400xi32, #tpu.memory_space<hbm>>
      %dma_wait3A_20 = tpu.memref_slice %arg5[%mul3A_2] : memref<204800xi32, #tpu.memory_space<hbm>> -> memref<6400xi32, #tpu.memory_space<hbm>>
      tpu.wait_dma2 semaphore(%run_scoped3A : memref<!tpu.dma_semaphore, #tpu.memory_space<semaphore_mem>>) src(%dma_wait3A_20 : memref<6400xi32, #tpu.memory_space<hbm>>) dst(%arg10 : memref<6400xi32, #tpu.memory_space<vmem>>)
      tpu.yield
    }) : () -> ()
    %parallel_loop3A = arith.constant 0 : i32
    %parallel_loop3A_3 = arith.constant 400 : i32
    %parallel_loop3A_4 = arith.constant 1 : i32
    scf.for %parallel_loop3A_19 = %parallel_loop3A to %parallel_loop3A_3 step %parallel_loop3A_4  : i32 {
      %parallel_loop3A_20 = arith.constant 16 : i32
      %parallel_loop3A_21 = arith.muli %parallel_loop3A_19, %parallel_loop3A_20 : i32
      %parallel_loop3A_22 = arith.index_cast %parallel_loop3A_21 : i32 to index
      %parallel_loop3A_23 = tpu.vector_load %arg8[%parallel_loop3A_22] {strides = array<i32>} : memref<6400xi32, #tpu.memory_space<vmem>>, vector<16xi32>,
      %parallel_loop3A_24 = arith.constant 8 : i32
      %parallel_loop3A_25 = vector.broadcast %parallel_loop3A_24 : i32 to vector<16xi32>
      %parallel_loop3A_26 = arith.muli %parallel_loop3A_23, %parallel_loop3A_25 : vector<16xi32>
      %parallel_loop3A_27 = arith.index_cast %parallel_loop3A_21 : i32 to index
      %parallel_loop3A_28 = tpu.vector_load %arg9[%parallel_loop3A_27] {strides = array<i32>} : memref<6400xi32, #tpu.memory_space<vmem>>, vector<16xi32>,
      %parallel_loop3A_29 = arith.constant 8 : i32
      %parallel_loop3A_30 = vector.broadcast %parallel_loop3A_29 : i32 to vector<16xi32>
      %parallel_loop3A_31 = arith.muli %parallel_loop3A_28, %parallel_loop3A_30 : vector<16xi32>
      %parallel_loop3A_32 = arith.constant 8192 : i32
      %parallel_loop3A_33 = vector.broadcast %parallel_loop3A_32 : i32 to vector<16xi32>
      %parallel_loop3A_34 = arith.addi %parallel_loop3A_31, %parallel_loop3A_33 : vector<16xi32>
      %parallel_loop3A_35 = arith.index_cast %parallel_loop3A_21 : i32 to index
      %parallel_loop3A_36 = tpu.vector_load %arg10[%parallel_loop3A_35] {strides = array<i32>} : memref<6400xi32, #tpu.memory_space<vmem>>, vector<16xi32>,
      %parallel_loop3A_37 = arith.constant 8 : i32
      %parallel_loop3A_38 = vector.broadcast %parallel_loop3A_37 : i32 to vector<16xi32>
      %parallel_loop3A_39 = arith.muli %parallel_loop3A_36, %parallel_loop3A_38 : vector<16xi32>
      %parallel_loop3A_40 = arith.constant 16384 : i32
      %parallel_loop3A_41 = vector.broadcast %parallel_loop3A_40 : i32 to vector<16xi32>
      %parallel_loop3A_42 = arith.addi %parallel_loop3A_39, %parallel_loop3A_41 : vector<16xi32>
      %parallel_loop3A_43 = arith.constant 0 : i32
      %parallel_loop3A_44 = vector.broadcast %parallel_loop3A_43 : i32 to vector<16xi32>
      %parallel_loop3A_45 = arith.addi %parallel_loop3A_26, %parallel_loop3A_44 : vector<16xi32>
      %parallel_loop3A_46 = tpu.vector_load_idx %arg7[%parallel_loop3A_45] : memref<24576xf32, #tpu.memory_space<vmem>>[vector<16xi32>], vector<16xf32>,
      %parallel_loop3A_47 = arith.constant 0 : i32
      %parallel_loop3A_48 = vector.broadcast %parallel_loop3A_47 : i32 to vector<16xi32>
      %parallel_loop3A_49 = arith.addi %parallel_loop3A_34, %parallel_loop3A_48 : vector<16xi32>
      %parallel_loop3A_50 = tpu.vector_load_idx %arg7[%parallel_loop3A_49] : memref<24576xf32, #tpu.memory_space<vmem>>[vector<16xi32>], vector<16xf32>,
      %parallel_loop3A_51 = arith.addf %parallel_loop3A_46, %parallel_loop3A_50 : vector<16xf32>
      %parallel_loop3A_52 = arith.constant 0 : i32
      %parallel_loop3A_53 = vector.broadcast %parallel_loop3A_52 : i32 to vector<16xi32>
      %parallel_loop3A_54 = arith.addi %parallel_loop3A_42, %parallel_loop3A_53 : vector<16xi32>
      %parallel_loop3A_55 = tpu.vector_load_idx %arg7[%parallel_loop3A_54] : memref<24576xf32, #tpu.memory_space<vmem>>[vector<16xi32>], vector<16xf32>,
      %parallel_loop3A_56 = arith.addf %parallel_loop3A_51, %parallel_loop3A_55 : vector<16xf32>
      %parallel_loop3A_57 = arith.constant 1 : i32
      %parallel_loop3A_58 = vector.broadcast %parallel_loop3A_57 : i32 to vector<16xi32>
      %parallel_loop3A_59 = arith.addi %parallel_loop3A_26, %parallel_loop3A_58 : vector<16xi32>
      %parallel_loop3A_60 = tpu.vector_load_idx %arg7[%parallel_loop3A_59] : memref<24576xf32, #tpu.memory_space<vmem>>[vector<16xi32>], vector<16xf32>,
      %parallel_loop3A_61 = arith.constant 1 : i32
      %parallel_loop3A_62 = vector.broadcast %parallel_loop3A_61 : i32 to vector<16xi32>
      %parallel_loop3A_63 = arith.addi %parallel_loop3A_34, %parallel_loop3A_62 : vector<16xi32>
      %parallel_loop3A_64 = tpu.vector_load_idx %arg7[%parallel_loop3A_63] : memref<24576xf32, #tpu.memory_space<vmem>>[vector<16xi32>], vector<16xf32>,
      %parallel_loop3A_65 = arith.addf %parallel_loop3A_60, %parallel_loop3A_64 : vector<16xf32>
      %parallel_loop3A_66 = arith.constant 1 : i32
      %parallel_loop3A_67 = vector.broadcast %parallel_loop3A_66 : i32 to vector<16xi32>
      %parallel_loop3A_68 = arith.addi %parallel_loop3A_42, %parallel_loop3A_67 : vector<16xi32>
      %parallel_loop3A_69 = tpu.vector_load_idx %arg7[%parallel_loop3A_68] : memref<24576xf32, #tpu.memory_space<vmem>>[vector<16xi32>], vector<16xf32>,
      %parallel_loop3A_70 = arith.addf %parallel_loop3A_65, %parallel_loop3A_69 : vector<16xf32>
      %parallel_loop3A_71 = arith.constant 2 : i32
      %parallel_loop3A_72 = vector.broadcast %parallel_loop3A_71 : i32 to vector<16xi32>
      %parallel_loop3A_73 = arith.addi %parallel_loop3A_26, %parallel_loop3A_72 : vector<16xi32>
      %parallel_loop3A_74 = tpu.vector_load_idx %arg7[%parallel_loop3A_73] : memref<24576xf32, #tpu.memory_space<vmem>>[vector<16xi32>], vector<16xf32>,
      %parallel_loop3A_75 = arith.constant 2 : i32
      %parallel_loop3A_76 = vector.broadcast %parallel_loop3A_75 : i32 to vector<16xi32>
      %parallel_loop3A_77 = arith.addi %parallel_loop3A_34, %parallel_loop3A_76 : vector<16xi32>
      %parallel_loop3A_78 = tpu.vector_load_idx %arg7[%parallel_loop3A_77] : memref<24576xf32, #tpu.memory_space<vmem>>[vector<16xi32>], vector<16xf32>,
      %parallel_loop3A_79 = arith.addf %parallel_loop3A_74, %parallel_loop3A_78 : vector<16xf32>
      %parallel_loop3A_80 = arith.constant 2 : i32
      %parallel_loop3A_81 = vector.broadcast %parallel_loop3A_80 : i32 to vector<16xi32>
      %parallel_loop3A_82 = arith.addi %parallel_loop3A_42, %parallel_loop3A_81 : vector<16xi32>
      %parallel_loop3A_83 = tpu.vector_load_idx %arg7[%parallel_loop3A_82] : memref<24576xf32, #tpu.memory_space<vmem>>[vector<16xi32>], vector<16xf32>,
      %parallel_loop3A_84 = arith.addf %parallel_loop3A_79, %parallel_loop3A_83 : vector<16xf32>
      %parallel_loop3A_85 = arith.constant 3 : i32
      %parallel_loop3A_86 = vector.broadcast %parallel_loop3A_85 : i32 to vector<16xi32>
      %parallel_loop3A_87 = arith.addi %parallel_loop3A_26, %parallel_loop3A_86 : vector<16xi32>
      %parallel_loop3A_88 = tpu.vector_load_idx %arg7[%parallel_loop3A_87] : memref<24576xf32, #tpu.memory_space<vmem>>[vector<16xi32>], vector<16xf32>,
      %parallel_loop3A_89 = arith.constant 3 : i32
      %parallel_loop3A_90 = vector.broadcast %parallel_loop3A_89 : i32 to vector<16xi32>
      %parallel_loop3A_91 = arith.addi %parallel_loop3A_34, %parallel_loop3A_90 : vector<16xi32>
      %parallel_loop3A_92 = tpu.vector_load_idx %arg7[%parallel_loop3A_91] : memref<24576xf32, #tpu.memory_space<vmem>>[vector<16xi32>], vector<16xf32>,
      %parallel_loop3A_93 = arith.addf %parallel_loop3A_88, %parallel_loop3A_92 : vector<16xf32>
      %parallel_loop3A_94 = arith.constant 3 : i32
      %parallel_loop3A_95 = vector.broadcast %parallel_loop3A_94 : i32 to vector<16xi32>
      %parallel_loop3A_96 = arith.addi %parallel_loop3A_42, %parallel_loop3A_95 : vector<16xi32>
      %parallel_loop3A_97 = tpu.vector_load_idx %arg7[%parallel_loop3A_96] : memref<24576xf32, #tpu.memory_space<vmem>>[vector<16xi32>], vector<16xf32>,
      %parallel_loop3A_98 = arith.addf %parallel_loop3A_93, %parallel_loop3A_97 : vector<16xf32>
      %parallel_loop3A_99 = arith.constant 4 : i32
      %parallel_loop3A_100 = vector.broadcast %parallel_loop3A_99 : i32 to vector<16xi32>
      %parallel_loop3A_101 = arith.addi %parallel_loop3A_26, %parallel_loop3A_100 : vector<16xi32>
      %parallel_loop3A_102 = tpu.vector_load_idx %arg7[%parallel_loop3A_101] : memref<24576xf32, #tpu.memory_space<vmem>>[vector<16xi32>], vector<16xf32>,
      %parallel_loop3A_103 = arith.constant 4 : i32
      %parallel_loop3A_104 = vector.broadcast %parallel_loop3A_103 : i32 to vector<16xi32>
      %parallel_loop3A_105 = arith.addi %parallel_loop3A_34, %parallel_loop3A_104 : vector<16xi32>
      %parallel_loop3A_106 = tpu.vector_load_idx %arg7[%parallel_loop3A_105] : memref<24576xf32, #tpu.memory_space<vmem>>[vector<16xi32>], vector<16xf32>,
      %parallel_loop3A_107 = arith.addf %parallel_loop3A_102, %parallel_loop3A_106 : vector<16xf32>
      %parallel_loop3A_108 = arith.constant 4 : i32
      %parallel_loop3A_109 = vector.broadcast %parallel_loop3A_108 : i32 to vector<16xi32>
      %parallel_loop3A_110 = arith.addi %parallel_loop3A_42, %parallel_loop3A_109 : vector<16xi32>
      %parallel_loop3A_111 = tpu.vector_load_idx %arg7[%parallel_loop3A_110] : memref<24576xf32, #tpu.memory_space<vmem>>[vector<16xi32>], vector<16xf32>,
      %parallel_loop3A_112 = arith.addf %parallel_loop3A_107, %parallel_loop3A_111 : vector<16xf32>
      %parallel_loop3A_113 = arith.constant 5 : i32
      %parallel_loop3A_114 = vector.broadcast %parallel_loop3A_113 : i32 to vector<16xi32>
      %parallel_loop3A_115 = arith.addi %parallel_loop3A_26, %parallel_loop3A_114 : vector<16xi32>
      %parallel_loop3A_116 = tpu.vector_load_idx %arg7[%parallel_loop3A_115] : memref<24576xf32, #tpu.memory_space<vmem>>[vector<16xi32>], vector<16xf32>,
      %parallel_loop3A_117 = arith.constant 5 : i32
      %parallel_loop3A_118 = vector.broadcast %parallel_loop3A_117 : i32 to vector<16xi32>
      %parallel_loop3A_119 = arith.addi %parallel_loop3A_34, %parallel_loop3A_118 : vector<16xi32>
      %parallel_loop3A_120 = tpu.vector_load_idx %arg7[%parallel_loop3A_119] : memref<24576xf32, #tpu.memory_space<vmem>>[vector<16xi32>], vector<16xf32>,
      %parallel_loop3A_121 = arith.addf %parallel_loop3A_116, %parallel_loop3A_120 : vector<16xf32>
      %parallel_loop3A_122 = arith.constant 5 : i32
      %parallel_loop3A_123 = vector.broadcast %parallel_loop3A_122 : i32 to vector<16xi32>
      %parallel_loop3A_124 = arith.addi %parallel_loop3A_42, %parallel_loop3A_123 : vector<16xi32>
      %parallel_loop3A_125 = tpu.vector_load_idx %arg7[%parallel_loop3A_124] : memref<24576xf32, #tpu.memory_space<vmem>>[vector<16xi32>], vector<16xf32>,
      %parallel_loop3A_126 = arith.addf %parallel_loop3A_121, %parallel_loop3A_125 : vector<16xf32>
      %parallel_loop3A_127 = arith.constant 6 : i32
      %parallel_loop3A_128 = vector.broadcast %parallel_loop3A_127 : i32 to vector<16xi32>
      %parallel_loop3A_129 = arith.addi %parallel_loop3A_26, %parallel_loop3A_128 : vector<16xi32>
      %parallel_loop3A_130 = tpu.vector_load_idx %arg7[%parallel_loop3A_129] : memref<24576xf32, #tpu.memory_space<vmem>>[vector<16xi32>], vector<16xf32>,
      %parallel_loop3A_131 = arith.constant 6 : i32
      %parallel_loop3A_132 = vector.broadcast %parallel_loop3A_131 : i32 to vector<16xi32>
      %parallel_loop3A_133 = arith.addi %parallel_loop3A_34, %parallel_loop3A_132 : vector<16xi32>
      %parallel_loop3A_134 = tpu.vector_load_idx %arg7[%parallel_loop3A_133] : memref<24576xf32, #tpu.memory_space<vmem>>[vector<16xi32>], vector<16xf32>,
      %parallel_loop3A_135 = arith.addf %parallel_loop3A_130, %parallel_loop3A_134 : vector<16xf32>
      %parallel_loop3A_136 = arith.constant 6 : i32
      %parallel_loop3A_137 = vector.broadcast %parallel_loop3A_136 : i32 to vector<16xi32>
      %parallel_loop3A_138 = arith.addi %parallel_loop3A_42, %parallel_loop3A_137 : vector<16xi32>
      %parallel_loop3A_139 = tpu.vector_load_idx %arg7[%parallel_loop3A_138] : memref<24576xf32, #tpu.memory_space<vmem>>[vector<16xi32>], vector<16xf32>,
      %parallel_loop3A_140 = arith.addf %parallel_loop3A_135, %parallel_loop3A_139 : vector<16xf32>
      %parallel_loop3A_141 = arith.maximumf %parallel_loop3A_70, %parallel_loop3A_84 : vector<16xf32>
      %parallel_loop3A_142 = arith.maximumf %parallel_loop3A_141, %parallel_loop3A_98 : vector<16xf32>
      %parallel_loop3A_143 = arith.maximumf %parallel_loop3A_142, %parallel_loop3A_112 : vector<16xf32>
      %parallel_loop3A_144 = arith.maximumf %parallel_loop3A_143, %parallel_loop3A_126 : vector<16xf32>
      %parallel_loop3A_145 = arith.maximumf %parallel_loop3A_144, %parallel_loop3A_140 : vector<16xf32>
      %parallel_loop3A_146 = arith.subf %parallel_loop3A_70, %parallel_loop3A_145 : vector<16xf32>
      %parallel_loop3A_147 = math.exp %parallel_loop3A_146 : vector<16xf32>
      %parallel_loop3A_148 = arith.subf %parallel_loop3A_84, %parallel_loop3A_145 : vector<16xf32>
      %parallel_loop3A_149 = math.exp %parallel_loop3A_148 : vector<16xf32>
      %parallel_loop3A_150 = arith.subf %parallel_loop3A_98, %parallel_loop3A_145 : vector<16xf32>
      %parallel_loop3A_151 = math.exp %parallel_loop3A_150 : vector<16xf32>
      %parallel_loop3A_152 = arith.subf %parallel_loop3A_112, %parallel_loop3A_145 : vector<16xf32>
      %parallel_loop3A_153 = math.exp %parallel_loop3A_152 : vector<16xf32>
      %parallel_loop3A_154 = arith.subf %parallel_loop3A_126, %parallel_loop3A_145 : vector<16xf32>
      %parallel_loop3A_155 = math.exp %parallel_loop3A_154 : vector<16xf32>
      %parallel_loop3A_156 = arith.subf %parallel_loop3A_140, %parallel_loop3A_145 : vector<16xf32>
      %parallel_loop3A_157 = math.exp %parallel_loop3A_156 : vector<16xf32>
      %parallel_loop3A_158 = arith.addf %parallel_loop3A_147, %parallel_loop3A_149 : vector<16xf32>
      %parallel_loop3A_159 = arith.addf %parallel_loop3A_158, %parallel_loop3A_151 : vector<16xf32>
      %parallel_loop3A_160 = arith.addf %parallel_loop3A_159, %parallel_loop3A_153 : vector<16xf32>
      %parallel_loop3A_161 = arith.addf %parallel_loop3A_160, %parallel_loop3A_155 : vector<16xf32>
      %parallel_loop3A_162 = arith.addf %parallel_loop3A_161, %parallel_loop3A_157 : vector<16xf32>
      %parallel_loop3A_163 = arith.constant 1.000000e+00 : f32
      %parallel_loop3A_164 = vector.broadcast %parallel_loop3A_163 : f32 to vector<16xf32>
      %parallel_loop3A_165 = arith.divf %parallel_loop3A_164, %parallel_loop3A_162 : vector<16xf32>
      %parallel_loop3A_166 = arith.index_cast %parallel_loop3A_21 : i32 to index
      %parallel_loop3A_167 = tpu.vector_load %arg11[%parallel_loop3A_166] {strides = array<i32>} : memref<44800xf32, #tpu.memory_space<vmem>>, vector<16xf32>,
      tpu.vector_store %arg11[%parallel_loop3A_166], %parallel_loop3A_56 {strides = array<i32>} : memref<44800xf32, #tpu.memory_space<vmem>>, vector<16xf32>,
      %parallel_loop3A_168 = arith.mulf %parallel_loop3A_147, %parallel_loop3A_165 : vector<16xf32>
      %parallel_loop3A_169 = arith.constant 6400 : i32
      %parallel_loop3A_170 = arith.addi %parallel_loop3A_169, %parallel_loop3A_21 : i32
      %parallel_loop3A_171 = arith.index_cast %parallel_loop3A_170 : i32 to index
      %parallel_loop3A_172 = tpu.vector_load %arg11[%parallel_loop3A_171] {strides = array<i32>} : memref<44800xf32, #tpu.memory_space<vmem>>, vector<16xf32>,
      tpu.vector_store %arg11[%parallel_loop3A_171], %parallel_loop3A_168 {strides = array<i32>} : memref<44800xf32, #tpu.memory_space<vmem>>, vector<16xf32>,
      %parallel_loop3A_173 = arith.mulf %parallel_loop3A_149, %parallel_loop3A_165 : vector<16xf32>
      %parallel_loop3A_174 = arith.constant 12800 : i32
      %parallel_loop3A_175 = arith.addi %parallel_loop3A_174, %parallel_loop3A_21 : i32
      %parallel_loop3A_176 = arith.index_cast %parallel_loop3A_175 : i32 to index
      %parallel_loop3A_177 = tpu.vector_load %arg11[%parallel_loop3A_176] {strides = array<i32>} : memref<44800xf32, #tpu.memory_space<vmem>>, vector<16xf32>,
      tpu.vector_store %arg11[%parallel_loop3A_176], %parallel_loop3A_173 {strides = array<i32>} : memref<44800xf32, #tpu.memory_space<vmem>>, vector<16xf32>,
      %parallel_loop3A_178 = arith.mulf %parallel_loop3A_151, %parallel_loop3A_165 : vector<16xf32>
      %parallel_loop3A_179 = arith.constant 19200 : i32
      %parallel_loop3A_180 = arith.addi %parallel_loop3A_179, %parallel_loop3A_21 : i32
      %parallel_loop3A_181 = arith.index_cast %parallel_loop3A_180 : i32 to index
      %parallel_loop3A_182 = tpu.vector_load %arg11[%parallel_loop3A_181] {strides = array<i32>} : memref<44800xf32, #tpu.memory_space<vmem>>, vector<16xf32>,
      tpu.vector_store %arg11[%parallel_loop3A_181], %parallel_loop3A_178 {strides = array<i32>} : memref<44800xf32, #tpu.memory_space<vmem>>, vector<16xf32>,
      %parallel_loop3A_183 = arith.mulf %parallel_loop3A_153, %parallel_loop3A_165 : vector<16xf32>
      %parallel_loop3A_184 = arith.constant 25600 : i32
      %parallel_loop3A_185 = arith.addi %parallel_loop3A_184, %parallel_loop3A_21 : i32
      %parallel_loop3A_186 = arith.index_cast %parallel_loop3A_185 : i32 to index
      %parallel_loop3A_187 = tpu.vector_load %arg11[%parallel_loop3A_186] {strides = array<i32>} : memref<44800xf32, #tpu.memory_space<vmem>>, vector<16xf32>,
      tpu.vector_store %arg11[%parallel_loop3A_186], %parallel_loop3A_183 {strides = array<i32>} : memref<44800xf32, #tpu.memory_space<vmem>>, vector<16xf32>,
      %parallel_loop3A_188 = arith.mulf %parallel_loop3A_155, %parallel_loop3A_165 : vector<16xf32>
      %parallel_loop3A_189 = arith.constant 32000 : i32
      %parallel_loop3A_190 = arith.addi %parallel_loop3A_189, %parallel_loop3A_21 : i32
      %parallel_loop3A_191 = arith.index_cast %parallel_loop3A_190 : i32 to index
      %parallel_loop3A_192 = tpu.vector_load %arg11[%parallel_loop3A_191] {strides = array<i32>} : memref<44800xf32, #tpu.memory_space<vmem>>, vector<16xf32>,
      tpu.vector_store %arg11[%parallel_loop3A_191], %parallel_loop3A_188 {strides = array<i32>} : memref<44800xf32, #tpu.memory_space<vmem>>, vector<16xf32>,
      %parallel_loop3A_193 = arith.mulf %parallel_loop3A_157, %parallel_loop3A_165 : vector<16xf32>
      %parallel_loop3A_194 = arith.constant 38400 : i32
      %parallel_loop3A_195 = arith.addi %parallel_loop3A_194, %parallel_loop3A_21 : i32
      %parallel_loop3A_196 = arith.index_cast %parallel_loop3A_195 : i32 to index
      %parallel_loop3A_197 = tpu.vector_load %arg11[%parallel_loop3A_196] {strides = array<i32>} : memref<44800xf32, #tpu.memory_space<vmem>>, vector<16xf32>,
      tpu.vector_store %arg11[%parallel_loop3A_196], %parallel_loop3A_193 {strides = array<i32>} : memref<44800xf32, #tpu.memory_space<vmem>>, vector<16xf32>,
    } {sc.loop_unroll_factor = 4 : i64, sc.parallel_access}
    %add3A_5 = arith.constant 0 : i32
    %add3A_6 = arith.addi %add3A_5, %mul3A_2 : i32
    "tpu.region"() ({
      %run_scoped3A = tpu.sem_alloc : memref<!tpu.dma_semaphore, #tpu.memory_space<semaphore_mem>>
      %dma_start3A = arith.constant 0 : i32
      %dma_start3A_19 = tpu.memref_slice %arg11[%dma_start3A] : memref<44800xf32, #tpu.memory_space<vmem>> -> memref<6400xf32, #tpu.memory_space<vmem>>
      %dma_start3A_20 = tpu.memref_slice %arg6[%add3A_6] : memref<1433600xf32, #tpu.memory_space<hbm>> -> memref<6400xf32, #tpu.memory_space<hbm>>
      %dma_start3A_21 = tpu.memref_slice %arg6[%add3A_6] : memref<1433600xf32, #tpu.memory_space<hbm>> -> memref<6400xf32, #tpu.memory_space<hbm>>
      %dma_start3A_22 = arith.constant 0 : i32
      %dma_start3A_23 = tpu.memref_slice %arg11[%dma_start3A_22] : memref<44800xf32, #tpu.memory_space<vmem>> -> memref<6400xf32, #tpu.memory_space<vmem>>
      tpu.enqueue_dma source(%dma_start3A_23 : memref<6400xf32, #tpu.memory_space<vmem>>) target(%dma_start3A_21 : memref<6400xf32, #tpu.memory_space<hbm>>) target_semaphore(%run_scoped3A : memref<!tpu.dma_semaphore, #tpu.memory_space<semaphore_mem>>)
      %dma_wait3A = arith.constant 0 : i32
      %dma_wait3A_24 = tpu.memref_slice %arg11[%dma_wait3A] : memref<44800xf32, #tpu.memory_space<vmem>> -> memref<6400xf32, #tpu.memory_space<vmem>>
      %dma_wait3A_25 = tpu.memref_slice %arg6[%add3A_6] : memref<1433600xf32, #tpu.memory_space<hbm>> -> memref<6400xf32, #tpu.memory_space<hbm>>
      %dma_wait3A_26 = tpu.memref_slice %arg6[%add3A_6] : memref<1433600xf32, #tpu.memory_space<hbm>> -> memref<6400xf32, #tpu.memory_space<hbm>>
      %dma_wait3A_27 = arith.constant 0 : i32
      %dma_wait3A_28 = tpu.memref_slice %arg11[%dma_wait3A_27] : memref<44800xf32, #tpu.memory_space<vmem>> -> memref<6400xf32, #tpu.memory_space<vmem>>
      tpu.wait_dma2 semaphore(%run_scoped3A : memref<!tpu.dma_semaphore, #tpu.memory_space<semaphore_mem>>) src(%dma_wait3A_28 : memref<6400xf32, #tpu.memory_space<vmem>>) dst(%dma_wait3A_26 : memref<6400xf32, #tpu.memory_space<hbm>>)
      tpu.yield
    }) : () -> ()
    %add3A_7 = arith.constant 204800 : i32
    %add3A_8 = arith.addi %add3A_7, %mul3A_2 : i32
    "tpu.region"() ({
      %run_scoped3A = tpu.sem_alloc : memref<!tpu.dma_semaphore, #tpu.memory_space<semaphore_mem>>
      %dma_start3A = arith.constant 6400 : i32
      %dma_start3A_19 = tpu.memref_slice %arg11[%dma_start3A] : memref<44800xf32, #tpu.memory_space<vmem>> -> memref<6400xf32, #tpu.memory_space<vmem>>
      %dma_start3A_20 = tpu.memref_slice %arg6[%add3A_8] : memref<1433600xf32, #tpu.memory_space<hbm>> -> memref<6400xf32, #tpu.memory_space<hbm>>
      %dma_start3A_21 = tpu.memref_slice %arg6[%add3A_8] : memref<1433600xf32, #tpu.memory_space<hbm>> -> memref<6400xf32, #tpu.memory_space<hbm>>
      %dma_start3A_22 = arith.constant 6400 : i32
      %dma_start3A_23 = tpu.memref_slice %arg11[%dma_start3A_22] : memref<44800xf32, #tpu.memory_space<vmem>> -> memref<6400xf32, #tpu.memory_space<vmem>>
      tpu.enqueue_dma source(%dma_start3A_23 : memref<6400xf32, #tpu.memory_space<vmem>>) target(%dma_start3A_21 : memref<6400xf32, #tpu.memory_space<hbm>>) target_semaphore(%run_scoped3A : memref<!tpu.dma_semaphore, #tpu.memory_space<semaphore_mem>>)
      %dma_wait3A = arith.constant 6400 : i32
      %dma_wait3A_24 = tpu.memref_slice %arg11[%dma_wait3A] : memref<44800xf32, #tpu.memory_space<vmem>> -> memref<6400xf32, #tpu.memory_space<vmem>>
      %dma_wait3A_25 = tpu.memref_slice %arg6[%add3A_8] : memref<1433600xf32, #tpu.memory_space<hbm>> -> memref<6400xf32, #tpu.memory_space<hbm>>
      %dma_wait3A_26 = tpu.memref_slice %arg6[%add3A_8] : memref<1433600xf32, #tpu.memory_space<hbm>> -> memref<6400xf32, #tpu.memory_space<hbm>>
      %dma_wait3A_27 = arith.constant 6400 : i32
      %dma_wait3A_28 = tpu.memref_slice %arg11[%dma_wait3A_27] : memref<44800xf32, #tpu.memory_space<vmem>> -> memref<6400xf32, #tpu.memory_space<vmem>>
      tpu.wait_dma2 semaphore(%run_scoped3A : memref<!tpu.dma_semaphore, #tpu.memory_space<semaphore_mem>>) src(%dma_wait3A_28 : memref<6400xf32, #tpu.memory_space<vmem>>) dst(%dma_wait3A_26 : memref<6400xf32, #tpu.memory_space<hbm>>)
      tpu.yield
    }) : () -> ()
    %add3A_9 = arith.constant 409600 : i32
    %add3A_10 = arith.addi %add3A_9, %mul3A_2 : i32
    "tpu.region"() ({
      %run_scoped3A = tpu.sem_alloc : memref<!tpu.dma_semaphore, #tpu.memory_space<semaphore_mem>>
      %dma_start3A = arith.constant 12800 : i32
      %dma_start3A_19 = tpu.memref_slice %arg11[%dma_start3A] : memref<44800xf32, #tpu.memory_space<vmem>> -> memref<6400xf32, #tpu.memory_space<vmem>>
      %dma_start3A_20 = tpu.memref_slice %arg6[%add3A_10] : memref<1433600xf32, #tpu.memory_space<hbm>> -> memref<6400xf32, #tpu.memory_space<hbm>>
      %dma_start3A_21 = tpu.memref_slice %arg6[%add3A_10] : memref<1433600xf32, #tpu.memory_space<hbm>> -> memref<6400xf32, #tpu.memory_space<hbm>>
      %dma_start3A_22 = arith.constant 12800 : i32
      %dma_start3A_23 = tpu.memref_slice %arg11[%dma_start3A_22] : memref<44800xf32, #tpu.memory_space<vmem>> -> memref<6400xf32, #tpu.memory_space<vmem>>
      tpu.enqueue_dma source(%dma_start3A_23 : memref<6400xf32, #tpu.memory_space<vmem>>) target(%dma_start3A_21 : memref<6400xf32, #tpu.memory_space<hbm>>) target_semaphore(%run_scoped3A : memref<!tpu.dma_semaphore, #tpu.memory_space<semaphore_mem>>)
      %dma_wait3A = arith.constant 12800 : i32
      %dma_wait3A_24 = tpu.memref_slice %arg11[%dma_wait3A] : memref<44800xf32, #tpu.memory_space<vmem>> -> memref<6400xf32, #tpu.memory_space<vmem>>
      %dma_wait3A_25 = tpu.memref_slice %arg6[%add3A_10] : memref<1433600xf32, #tpu.memory_space<hbm>> -> memref<6400xf32, #tpu.memory_space<hbm>>
      %dma_wait3A_26 = tpu.memref_slice %arg6[%add3A_10] : memref<1433600xf32, #tpu.memory_space<hbm>> -> memref<6400xf32, #tpu.memory_space<hbm>>
      %dma_wait3A_27 = arith.constant 12800 : i32
      %dma_wait3A_28 = tpu.memref_slice %arg11[%dma_wait3A_27] : memref<44800xf32, #tpu.memory_space<vmem>> -> memref<6400xf32, #tpu.memory_space<vmem>>
      tpu.wait_dma2 semaphore(%run_scoped3A : memref<!tpu.dma_semaphore, #tpu.memory_space<semaphore_mem>>) src(%dma_wait3A_28 : memref<6400xf32, #tpu.memory_space<vmem>>) dst(%dma_wait3A_26 : memref<6400xf32, #tpu.memory_space<hbm>>)
      tpu.yield
    }) : () -> ()
    %add3A_11 = arith.constant 614400 : i32
    %add3A_12 = arith.addi %add3A_11, %mul3A_2 : i32
    "tpu.region"() ({
      %run_scoped3A = tpu.sem_alloc : memref<!tpu.dma_semaphore, #tpu.memory_space<semaphore_mem>>
      %dma_start3A = arith.constant 19200 : i32
      %dma_start3A_19 = tpu.memref_slice %arg11[%dma_start3A] : memref<44800xf32, #tpu.memory_space<vmem>> -> memref<6400xf32, #tpu.memory_space<vmem>>
      %dma_start3A_20 = tpu.memref_slice %arg6[%add3A_12] : memref<1433600xf32, #tpu.memory_space<hbm>> -> memref<6400xf32, #tpu.memory_space<hbm>>
      %dma_start3A_21 = tpu.memref_slice %arg6[%add3A_12] : memref<1433600xf32, #tpu.memory_space<hbm>> -> memref<6400xf32, #tpu.memory_space<hbm>>
      %dma_start3A_22 = arith.constant 19200 : i32
      %dma_start3A_23 = tpu.memref_slice %arg11[%dma_start3A_22] : memref<44800xf32, #tpu.memory_space<vmem>> -> memref<6400xf32, #tpu.memory_space<vmem>>
      tpu.enqueue_dma source(%dma_start3A_23 : memref<6400xf32, #tpu.memory_space<vmem>>) target(%dma_start3A_21 : memref<6400xf32, #tpu.memory_space<hbm>>) target_semaphore(%run_scoped3A : memref<!tpu.dma_semaphore, #tpu.memory_space<semaphore_mem>>)
      %dma_wait3A = arith.constant 19200 : i32
      %dma_wait3A_24 = tpu.memref_slice %arg11[%dma_wait3A] : memref<44800xf32, #tpu.memory_space<vmem>> -> memref<6400xf32, #tpu.memory_space<vmem>>
      %dma_wait3A_25 = tpu.memref_slice %arg6[%add3A_12] : memref<1433600xf32, #tpu.memory_space<hbm>> -> memref<6400xf32, #tpu.memory_space<hbm>>
      %dma_wait3A_26 = tpu.memref_slice %arg6[%add3A_12] : memref<1433600xf32, #tpu.memory_space<hbm>> -> memref<6400xf32, #tpu.memory_space<hbm>>
      %dma_wait3A_27 = arith.constant 19200 : i32
      %dma_wait3A_28 = tpu.memref_slice %arg11[%dma_wait3A_27] : memref<44800xf32, #tpu.memory_space<vmem>> -> memref<6400xf32, #tpu.memory_space<vmem>>
      tpu.wait_dma2 semaphore(%run_scoped3A : memref<!tpu.dma_semaphore, #tpu.memory_space<semaphore_mem>>) src(%dma_wait3A_28 : memref<6400xf32, #tpu.memory_space<vmem>>) dst(%dma_wait3A_26 : memref<6400xf32, #tpu.memory_space<hbm>>)
      tpu.yield
    }) : () -> ()
    %add3A_13 = arith.constant 819200 : i32
    %add3A_14 = arith.addi %add3A_13, %mul3A_2 : i32
    "tpu.region"() ({
      %run_scoped3A = tpu.sem_alloc : memref<!tpu.dma_semaphore, #tpu.memory_space<semaphore_mem>>
      %dma_start3A = arith.constant 25600 : i32
      %dma_start3A_19 = tpu.memref_slice %arg11[%dma_start3A] : memref<44800xf32, #tpu.memory_space<vmem>> -> memref<6400xf32, #tpu.memory_space<vmem>>
      %dma_start3A_20 = tpu.memref_slice %arg6[%add3A_14] : memref<1433600xf32, #tpu.memory_space<hbm>> -> memref<6400xf32, #tpu.memory_space<hbm>>
      %dma_start3A_21 = tpu.memref_slice %arg6[%add3A_14] : memref<1433600xf32, #tpu.memory_space<hbm>> -> memref<6400xf32, #tpu.memory_space<hbm>>
      %dma_start3A_22 = arith.constant 25600 : i32
      %dma_start3A_23 = tpu.memref_slice %arg11[%dma_start3A_22] : memref<44800xf32, #tpu.memory_space<vmem>> -> memref<6400xf32, #tpu.memory_space<vmem>>
      tpu.enqueue_dma source(%dma_start3A_23 : memref<6400xf32, #tpu.memory_space<vmem>>) target(%dma_start3A_21 : memref<6400xf32, #tpu.memory_space<hbm>>) target_semaphore(%run_scoped3A : memref<!tpu.dma_semaphore, #tpu.memory_space<semaphore_mem>>)
      %dma_wait3A = arith.constant 25600 : i32
      %dma_wait3A_24 = tpu.memref_slice %arg11[%dma_wait3A] : memref<44800xf32, #tpu.memory_space<vmem>> -> memref<6400xf32, #tpu.memory_space<vmem>>
      %dma_wait3A_25 = tpu.memref_slice %arg6[%add3A_14] : memref<1433600xf32, #tpu.memory_space<hbm>> -> memref<6400xf32, #tpu.memory_space<hbm>>
      %dma_wait3A_26 = tpu.memref_slice %arg6[%add3A_14] : memref<1433600xf32, #tpu.memory_space<hbm>> -> memref<6400xf32, #tpu.memory_space<hbm>>
      %dma_wait3A_27 = arith.constant 25600 : i32
      %dma_wait3A_28 = tpu.memref_slice %arg11[%dma_wait3A_27] : memref<44800xf32, #tpu.memory_space<vmem>> -> memref<6400xf32, #tpu.memory_space<vmem>>
      tpu.wait_dma2 semaphore(%run_scoped3A : memref<!tpu.dma_semaphore, #tpu.memory_space<semaphore_mem>>) src(%dma_wait3A_28 : memref<6400xf32, #tpu.memory_space<vmem>>) dst(%dma_wait3A_26 : memref<6400xf32, #tpu.memory_space<hbm>>)
      tpu.yield
    }) : () -> ()
    %add3A_15 = arith.constant 1024000 : i32
    %add3A_16 = arith.addi %add3A_15, %mul3A_2 : i32
    "tpu.region"() ({
      %run_scoped3A = tpu.sem_alloc : memref<!tpu.dma_semaphore, #tpu.memory_space<semaphore_mem>>
      %dma_start3A = arith.constant 32000 : i32
      %dma_start3A_19 = tpu.memref_slice %arg11[%dma_start3A] : memref<44800xf32, #tpu.memory_space<vmem>> -> memref<6400xf32, #tpu.memory_space<vmem>>
      %dma_start3A_20 = tpu.memref_slice %arg6[%add3A_16] : memref<1433600xf32, #tpu.memory_space<hbm>> -> memref<6400xf32, #tpu.memory_space<hbm>>
      %dma_start3A_21 = tpu.memref_slice %arg6[%add3A_16] : memref<1433600xf32, #tpu.memory_space<hbm>> -> memref<6400xf32, #tpu.memory_space<hbm>>
      %dma_start3A_22 = arith.constant 32000 : i32
      %dma_start3A_23 = tpu.memref_slice %arg11[%dma_start3A_22] : memref<44800xf32, #tpu.memory_space<vmem>> -> memref<6400xf32, #tpu.memory_space<vmem>>
      tpu.enqueue_dma source(%dma_start3A_23 : memref<6400xf32, #tpu.memory_space<vmem>>) target(%dma_start3A_21 : memref<6400xf32, #tpu.memory_space<hbm>>) target_semaphore(%run_scoped3A : memref<!tpu.dma_semaphore, #tpu.memory_space<semaphore_mem>>)
      %dma_wait3A = arith.constant 32000 : i32
      %dma_wait3A_24 = tpu.memref_slice %arg11[%dma_wait3A] : memref<44800xf32, #tpu.memory_space<vmem>> -> memref<6400xf32, #tpu.memory_space<vmem>>
      %dma_wait3A_25 = tpu.memref_slice %arg6[%add3A_16] : memref<1433600xf32, #tpu.memory_space<hbm>> -> memref<6400xf32, #tpu.memory_space<hbm>>
      %dma_wait3A_26 = tpu.memref_slice %arg6[%add3A_16] : memref<1433600xf32, #tpu.memory_space<hbm>> -> memref<6400xf32, #tpu.memory_space<hbm>>
      %dma_wait3A_27 = arith.constant 32000 : i32
      %dma_wait3A_28 = tpu.memref_slice %arg11[%dma_wait3A_27] : memref<44800xf32, #tpu.memory_space<vmem>> -> memref<6400xf32, #tpu.memory_space<vmem>>
      tpu.wait_dma2 semaphore(%run_scoped3A : memref<!tpu.dma_semaphore, #tpu.memory_space<semaphore_mem>>) src(%dma_wait3A_28 : memref<6400xf32, #tpu.memory_space<vmem>>) dst(%dma_wait3A_26 : memref<6400xf32, #tpu.memory_space<hbm>>)
      tpu.yield
    }) : () -> ()
    %add3A_17 = arith.constant 1228800 : i32
    %add3A_18 = arith.addi %add3A_17, %mul3A_2 : i32
    "tpu.region"() ({
      %run_scoped3A = tpu.sem_alloc : memref<!tpu.dma_semaphore, #tpu.memory_space<semaphore_mem>>
      %dma_start3A = arith.constant 38400 : i32
      %dma_start3A_19 = tpu.memref_slice %arg11[%dma_start3A] : memref<44800xf32, #tpu.memory_space<vmem>> -> memref<6400xf32, #tpu.memory_space<vmem>>
      %dma_start3A_20 = tpu.memref_slice %arg6[%add3A_18] : memref<1433600xf32, #tpu.memory_space<hbm>> -> memref<6400xf32, #tpu.memory_space<hbm>>
      %dma_start3A_21 = tpu.memref_slice %arg6[%add3A_18] : memref<1433600xf32, #tpu.memory_space<hbm>> -> memref<6400xf32, #tpu.memory_space<hbm>>
      %dma_start3A_22 = arith.constant 38400 : i32
      %dma_start3A_23 = tpu.memref_slice %arg11[%dma_start3A_22] : memref<44800xf32, #tpu.memory_space<vmem>> -> memref<6400xf32, #tpu.memory_space<vmem>>
      tpu.enqueue_dma source(%dma_start3A_23 : memref<6400xf32, #tpu.memory_space<vmem>>) target(%dma_start3A_21 : memref<6400xf32, #tpu.memory_space<hbm>>) target_semaphore(%run_scoped3A : memref<!tpu.dma_semaphore, #tpu.memory_space<semaphore_mem>>)
      %dma_wait3A = arith.constant 38400 : i32
      %dma_wait3A_24 = tpu.memref_slice %arg11[%dma_wait3A] : memref<44800xf32, #tpu.memory_space<vmem>> -> memref<6400xf32, #tpu.memory_space<vmem>>
      %dma_wait3A_25 = tpu.memref_slice %arg6[%add3A_18] : memref<1433600xf32, #tpu.memory_space<hbm>> -> memref<6400xf32, #tpu.memory_space<hbm>>
      %dma_wait3A_26 = tpu.memref_slice %arg6[%add3A_18] : memref<1433600xf32, #tpu.memory_space<hbm>> -> memref<6400xf32, #tpu.memory_space<hbm>>
      %dma_wait3A_27 = arith.constant 38400 : i32
      %dma_wait3A_28 = tpu.memref_slice %arg11[%dma_wait3A_27] : memref<44800xf32, #tpu.memory_space<vmem>> -> memref<6400xf32, #tpu.memory_space<vmem>>
      tpu.wait_dma2 semaphore(%run_scoped3A : memref<!tpu.dma_semaphore, #tpu.memory_space<semaphore_mem>>) src(%dma_wait3A_28 : memref<6400xf32, #tpu.memory_space<vmem>>) dst(%dma_wait3A_26 : memref<6400xf32, #tpu.memory_space<hbm>>)
      tpu.yield
    }) : () -> ()
    return
  }
}

module attributes {stable_mosaic.version = 14 : i64} {
  func.func @_project_body(%arg0: memref<1024x128xf32, #tpu.memory_space<vmem>>, %arg1: memref<1024x64xf32, #tpu.memory_space<vmem>>, %arg2: memref<1024x32xf32, #tpu.memory_space<vmem>>, %arg3: memref<224x8xf32, #tpu.memory_space<vmem>>, %arg4: memref<1x8xf32, #tpu.memory_space<vmem>>, %arg5: memref<3072x8xf32, #tpu.memory_space<vmem>>) attributes {dimension_semantics = [], scalar_prefetch = 0 : i64, scratch_operands = 0 : i64, tpu.core_type = #tpu.core_type<tc>} {
    %get3A = arith.constant 0 : index
    %get3A_0 = arith.constant 0 : index
    %get3A_1 = vector.load %arg3[%get3A, %get3A_0] : memref<224x8xf32, #tpu.memory_space<vmem>>, vector<224x8xf32>
    %get3A_2 = arith.constant 0 : index
    %get3A_3 = arith.constant 0 : index
    %get3A_4 = vector.load %arg0[%get3A_2, %get3A_3] : memref<1024x128xf32, #tpu.memory_space<vmem>>, vector<1024x128xf32>
    %slice3A = vector.extract_strided_slice %get3A_1 {offsets = [0, 0], sizes = [128, 8], strides = [1, 1]} : vector<224x8xf32> to vector<128x8xf32>
    %dot_general3A = arith.constant dense<0.000000e+00> : vector<1024x8xf32>
    %dot_general3A_5 = tpu.matmul %get3A_4, %slice3A, %dot_general3A {dimension_numbers = #tpu.dot_dimension_numbers<[1], [0], [0], [1], [0, 0, 1, 1], [], []>, transpose_lhs_hint = false} : vector<1024x128xf32>, vector<128x8xf32>, vector<1024x8xf32> -> vector<1024x8xf32>
    %get3A_6 = arith.constant 0 : index
    %get3A_7 = arith.constant 0 : index
    %get3A_8 = vector.load %arg4[%get3A_6, %get3A_7] : memref<1x8xf32, #tpu.memory_space<vmem>>, vector<1x8xf32>
    %add3A = vector.broadcast %get3A_8 : vector<1x8xf32> to vector<1024x8xf32>
    %add3A_9 = arith.addf %dot_general3A_5, %add3A : vector<1024x8xf32>
    %swap3A = arith.constant 0 : index
    %swap3A_10 = arith.constant 0 : index
    %swap3A_11 = vector.load %arg5[%swap3A, %swap3A_10] : memref<3072x8xf32, #tpu.memory_space<vmem>>, vector<1024x8xf32>
    tpu.vector_store %arg5[%swap3A, %swap3A_10], %add3A_9 {strides = array<i32>} : memref<3072x8xf32, #tpu.memory_space<vmem>>, vector<1024x8xf32>,
    %get3A_12 = arith.constant 0 : index
    %get3A_13 = arith.constant 0 : index
    %get3A_14 = vector.load %arg1[%get3A_12, %get3A_13] : memref<1024x64xf32, #tpu.memory_space<vmem>>, vector<1024x64xf32>
    %slice3A_15 = vector.extract_strided_slice %get3A_1 {offsets = [128, 0], sizes = [64, 8], strides = [1, 1]} : vector<224x8xf32> to vector<64x8xf32>
    %dot_general3A_16 = arith.constant dense<0.000000e+00> : vector<1024x8xf32>
    %dot_general3A_17 = tpu.matmul %get3A_14, %slice3A_15, %dot_general3A_16 {dimension_numbers = #tpu.dot_dimension_numbers<[1], [0], [0], [1], [0, 0, 1, 1], [], []>, transpose_lhs_hint = false} : vector<1024x64xf32>, vector<64x8xf32>, vector<1024x8xf32> -> vector<1024x8xf32>
    %swap3A_18 = arith.constant 1024 : index
    %swap3A_19 = arith.constant 0 : index
    %swap3A_20 = vector.load %arg5[%swap3A_18, %swap3A_19] : memref<3072x8xf32, #tpu.memory_space<vmem>>, vector<1024x8xf32>
    tpu.vector_store %arg5[%swap3A_18, %swap3A_19], %dot_general3A_17 {strides = array<i32>} : memref<3072x8xf32, #tpu.memory_space<vmem>>, vector<1024x8xf32>,
    %get3A_21 = arith.constant 0 : index
    %get3A_22 = arith.constant 0 : index
    %get3A_23 = vector.load %arg2[%get3A_21, %get3A_22] : memref<1024x32xf32, #tpu.memory_space<vmem>>, vector<1024x32xf32>
    %slice3A_24 = vector.extract_strided_slice %get3A_1 {offsets = [192, 0], sizes = [32, 8], strides = [1, 1]} : vector<224x8xf32> to vector<32x8xf32>
    %dot_general3A_25 = arith.constant dense<0.000000e+00> : vector<1024x8xf32>
    %dot_general3A_26 = tpu.matmul %get3A_23, %slice3A_24, %dot_general3A_25 {dimension_numbers = #tpu.dot_dimension_numbers<[1], [0], [0], [1], [0, 0, 1, 1], [], []>, transpose_lhs_hint = false} : vector<1024x32xf32>, vector<32x8xf32>, vector<1024x8xf32> -> vector<1024x8xf32>
    %swap3A_27 = arith.constant 2048 : index
    %swap3A_28 = arith.constant 0 : index
    %swap3A_29 = vector.load %arg5[%swap3A_27, %swap3A_28] : memref<3072x8xf32, #tpu.memory_space<vmem>>, vector<1024x8xf32>
    tpu.vector_store %arg5[%swap3A_27, %swap3A_28], %dot_general3A_26 {strides = array<i32>} : memref<3072x8xf32, #tpu.memory_space<vmem>>, vector<1024x8xf32>,
    return
  }
}

</mosaic_0001>

<sc_bundles>
// kernel: kernel.4.cloned.1.call-start
scs
__scs_entry_jumppad:
0x0: {  	(pc) =	sbr.rel $0x88, $3  }
0x1: {  	(tag) =	ssettag $0x0;
	lr =	simm.s32 $0x1  }
0x2: {  	[smem:$0x3F97] =	sst lr;
	_ =	strace $0xD0000000  }
0x3: {  	_ = 	snop  }
0x4: {  	_ = 	snop  }
0x5: {  	_ = 	snop  }
0x6: {  	_ = 	snop  }
0x7: {  	_ = 	snop  }
__scs_overlays_trampoline_lowered:
0x8: {  	[smem:$0x3FA6] =	sst s0  }
0x9: {  	[smem:$0x3FA7] =	sst s1  }
0xa: {  	[smem:$0x3FA8] =	sst s2  }
0xb: {  	[smem:$0x3FA9] =	sst s3  }
0xc: {  	[smem:$0x3FAA] =	sst s4  }
0xd: {  	[smem:$0x3FAB] =	sst s5  }
0xe: {  	[smem:$0x3FAC] =	sst s6  }
0xf: {  	[smem:$0x3FAD] =	sst s7  }
0x10: {  	[smem:$0x3FAE] =	sst s8  }
0x11: {  	[smem:$0x3FAF] =	sst s9;
	s0 =	simm.s32 @!p0 $0x0  }
0x12: {  	s1 =	sld [smem:$0x3F95];
	s0 =	simm.s32 @p0 $0x1  }
0x13: {  	[smem:$0x3FB0] =	sst s0;
	s0 =	simm.s32 @!p1 $0x0  }
0x14: {  	s2 =	sld [smem:$0x3F94];
	s0 =	simm.s32 @p1 $0x1  }
0x15: {  	[smem:$0x3FB1] =	sst s0;
	s0 =	simm.s32 @!p2 $0x0  }
0x16: {  	s3 =	sld [smem:$0x3FDB];
	s0 =	simm.s32 @p2 $0x1  }
0x17: {  	s4 =	simm.s32 $0x1BF5;
	[smem:$0x3FB3] =	sst s0  }
0x18: {  	s0 =	sld [smem:$0x3F96];
	_ =	swait.ge [sflag:s4], $0x0  }
0x19: {  	s7 =	sld [smem:$0x3F97]  }
0x1a: {  	s8 =	sadd.s32 $0xFFFFE003, lr  }
0x1b: {  	s9 =	sadd.s32 $0xFFFFFEF7, lr;
	s5 =	simm.s32 $0xFFFFFFFF;
	p2 =	slt.u32 s8, $0xFFFFF086  }
0x1c: {  	p1 =	slt.u32 s9, $0xF7A;
	s5 =	simm.s32 @!p2 $0x0  }
0x1d: {  	s5 =	simm.s32 @p1 $0x1;
	p0 =	seq.s32 s7, s2  }
0x1e: {  	s7 =	smul.u32 @!p0 $0xF7A, s2;
	p2 =	seq.s32 @!p0 s5, $0x0  }
0x1f: {  	s9 =	smul.u32 $0xF7A, s1;
	s8 =	simm.s32 @!p0 $0x1BF5;
	p2 =	por !p2, p0  }
0x20: {  	[sflag:s8] =	ssyncset.s32 @!p0 $0xFFFFF086;
	s6 =	sadd.s32 @!p0 s3, s7;
	s7 =	simm.s32 @!p0 $0x108  }
0x21: {  	s3 =	sadd.s32 s3, s9;
	s6 =	sadd.s32 @!p0 $0x88, s6;
	s7 =	simm.s32 @p2 $0x1082  }
0x22: {  	[simem:s7], [sflag:s8] =	dma.local @!p0 [hbm:s6], $0xF7A  }
0x23: {  	s9 =	sor.u32 $0xD0000000, s2;
	s6 =	simm.s32 $0x108;
	_ =	swait.ge @!p0 [sflag:s8], $0x0  }
0x24: {  	s3 =	sadd.s32 $0x88, s3;
	s6 =	simm.s32 @!p1 $0x1082;
	[sflag:s4] =	ssyncset.s32 $0xFFFFF086  }
0x25: {  	[simem:s6], [sflag:s4] =	dma.local [hbm:s3], $0xF7A  }
0x26: {  	[smem:$0x3F97] =	sst s1;
	(tag) =	ssettag s2;
	_ =	strace s9  }
0x27: {  	s1 =	sld [smem:$0x3FA7]  }
0x28: {  	s2 =	sld [smem:$0x3FA8]  }
0x29: {  	s4 =	sld [smem:$0x3FAA]  }
0x2a: {  	p0 =	seq.s32 s5, $0x0;
	s5 =	sld [smem:$0x3FAB]  }
0x2b: {  	s6 =	sld [smem:$0x3FAC]  }
0x2c: {  	s7 =	sld [smem:$0x3FAD]  }
0x2d: {  	s3 =	simm.s32 $0x108;
	s8 =	sld [smem:$0x3FAE]  }
0x2e: {  	s3 =	simm.s32 @!p0 $0x1082;
	s9 =	sld [smem:$0x3FAF]  }
0x2f: {  	lr =	sadd.s32 s0, s3;
	s0 =	sld [smem:$0x3FA6]  }
0x30: {  	s3 =	sld [smem:$0x3FA9]  }
0x31: {  	[smem:$0x3FB2] =	sst s10  }
0x32: {  	s10 =	sld [smem:$0x3FB0];
	_ =	sdelay $0x3  }
0x33: {  	p0 =	seq.s32 s10, $0x1;
	s10 =	sld [smem:$0x3FB2];
	_ =	sdelay $0x3  }
0x34: {  	[smem:$0x3FB2] =	sst s10  }
0x35: {  	s10 =	sld [smem:$0x3FB1];
	_ =	sdelay $0x3  }
0x36: {  	p1 =	seq.s32 s10, $0x1;
	s10 =	sld [smem:$0x3FB2];
	_ =	sdelay $0x3  }
0x37: {  	[smem:$0x3FB2] =	sst s10  }
0x38: {  	s10 =	sld [smem:$0x3FB3]  }
0x39: {  	_ = 	snop;
	(pc) =	sbr.ind lr, $3  }
0x3a: {  	_ = 	snop  }
0x3b: {  	_ = 	snop  }
0x3c: {  	p2 =	seq.s32 s10, $0x1;
	s10 =	sld [smem:$0x3FB2]  }
0x3d: {  	_ =	shalt  }
0x3e: {  	_ =	shalt  }
0x3f: {  	_ =	shalt  }
0x40: {  	_ =	shalt  }
0x41: {  	_ =	shalt  }
0x42: {  	_ =	shalt  }
0x43: {  	_ =	shalt  }
0x44: {  	_ =	shalt  }
0x45: {  	_ =	shalt  }
0x46: {  	_ =	shalt  }
0x47: {  	_ =	shalt  }
0x48: {  	_ =	shalt  }
0x49: {  	_ =	shalt  }
0x4a: {  	_ =	shalt  }
0x4b: {  	_ =	shalt  }
0x4c: {  	_ =	shalt  }
0x4d: {  	_ =	shalt  }
0x4e: {  	_ =	shalt  }
0x4f: {  	_ =	shalt  }
0x50: {  	_ =	shalt  }
0x51: {  	_ =	shalt  }
0x52: {  	_ =	shalt  }
0x53: {  	_ =	shalt  }
0x54: {  	_ =	shalt  }
0x55: {  	_ =	shalt  }
0x56: {  	_ =	shalt  }
0x57: {  	_ =	shalt  }
0x58: {  	_ =	shalt  }
0x59: {  	_ =	shalt  }
0x5a: {  	_ =	shalt  }
0x5b: {  	_ =	shalt  }
0x5c: {  	_ =	shalt  }
0x5d: {  	_ =	shalt  }
0x5e: {  	_ =	shalt  }
0x5f: {  	_ =	shalt  }
0x60: {  	_ =	shalt  }
0x61: {  	_ =	shalt  }
0x62: {  	_ =	shalt  }
0x63: {  	_ =	shalt  }
0x64: {  	_ =	shalt  }
0x65: {  	_ =	shalt  }
0x66: {  	_ =	shalt  }
0x67: {  	_ =	shalt  }
0x68: {  	_ =	shalt  }
0x69: {  	_ =	shalt  }
0x6a: {  	_ =	shalt  }
0x6b: {  	_ =	shalt  }
0x6c: {  	_ =	shalt  }
0x6d: {  	_ =	shalt  }
0x6e: {  	_ =	shalt  }
0x6f: {  	_ =	shalt  }
0x70: {  	_ =	shalt  }
0x71: {  	_ =	shalt  }
0x72: {  	_ =	shalt  }
0x73: {  	_ =	shalt  }
0x74: {  	_ =	shalt  }
0x75: {  	_ =	shalt  }
0x76: {  	_ =	shalt  }
0x77: {  	_ =	shalt  }
0x78: {  	_ =	shalt  }
0x79: {  	_ =	shalt  }
0x7a: {  	_ =	shalt  }
0x7b: {  	_ =	shalt  }
0x7c: {  	_ =	shalt  }
0x7d: {  	_ =	shalt  }
0x7e: {  	_ =	shalt  }
0x7f: {  	_ =	shalt  }
0x80: {  	_ =	shalt  }
0x81: {  	_ =	shalt  }
0x82: {  	_ =	shalt  }
0x83: {  	_ =	shalt  }
0x84: {  	_ =	shalt  }
0x85: {  	_ =	shalt  }
0x86: {  	_ =	shalt  }
0x87: {  	_ =	shalt  }
.Lfunc_end0:
.L_simem_size_0:
called_computation_lowered:
.L_overlay_start_0:
0x88: {  	s2 =	sld [smem:$0x3FD9]  }
0x89: {  	s3 =	sld [smem:$0x3FFE];
	_ =	sdelay $0x1  }
0x8a: {  	s1 =	srdreg.scid  }
0x8b: {  	s0 =	sand.u32 $0x1, s1  }
0x8c: {  	s14 =	sshll.u32 s0, $0xA;
	s2 =	sadd.s32 s3, s2  }
0x8d: {  	s2 =	sadd.s32 s2, s14  }
0x8e: {  	[smem:$0x3FBE] =	sst s2  }
0x8f: {  	_ = 	snop  }
0x90: {  	s2 =	sld [smem:$0x3FD0];
	_ =	sdelay $0x2  }
0x91: {  	s15 =	simm.s32 $0xA;
	s4 =	simm.s32 $0x10  }
0x92: {  	[smem:s4], [sflag:s15] =	dma.local [hbm:s2], $0x1  }
0x93: {  	_ =	swait.eq [sflag:s15], $0x1  }
0x94: {  	[sflag:s15] =	ssyncset.done $0x0  }
0x95: {  	s16 =	sld [smem:$0x10];
	[sflag:s15] =	ssyncadd.s32 $0xFFFFFFFF  }
0x96: {  	s17 =	sld [smem:$0x11];
	(tm) =	ssettm $0x1  }
0x97: {  	s18 =	sld [smem:$0x3FFB];
	_ =	sdelay $0x3  }
0x98: {  	_ =	strace s18  }
0x99: {  	s4 =	sld [smem:$0x3FFC];
	_ =	sdelay $0x3  }
0x9a: {  	_ =	strace s4  }
0x9b: {  	s4 =	sld [smem:$0x3FFD];
	_ =	sdelay $0x3  }
0x9c: {  	_ =	strace s4  }
0x9d: {  	_ =	strace $0x8FFFFFFF  }
0x9e: {  	s19 =	sld [smem:$0x3FDB];
	_ =	sdelay $0x1  }
0x9f: {  	s5 =	simm.s32 $_scs_section_size  }
0xa0: {  	s6 =	simm.s32 $_size__tile_overlayer_lowered;
	s7 =	simm.s32 $_tile_overlayer_lowered  }
0xa1: {  	s22 =	simm.s32 $0x1BFF;
	s21 =	sshll.u32 s7, $0x1;
	s4 =	sadd.s32 s5, s19  }
0xa2: {  	s8 =	simm.s32 $0x0;
	s20 =	sshll.u32 s6, $0x1;
	s6 =	sadd.s32 s21, s4  }
0xa3: {  	[timem:s8], [sflag:s22] =	dma.local [hbm:s6], s20  }
0xa4: {  	_ =	swait.ge [sflag:s22], s20  }
0xa5: {  	s5 =	ssub.s32 $0x0, s20;
	[sflag:s22] =	ssyncset.done $0x0  }
0xa6: {  	[sflag:s22] =	ssyncadd.s32 s5;
	_ =	sdelay $0x1  }
0xa7: {  	s23 =	simm.s32 $0x1B8B  }
0xa8: {  	_ =	swait.ge [sflag:s23], $0x1  }
0xa9: {  	[sflag:s23] =	ssyncset.done $0x0  }
0xaa: {  	s25 =	simm.s32 $0x1B8E;
	s24 =	sld [smem:$0x3FFE];
	[sflag:s23] =	ssyncadd.s32 $0xFFFFFFFF  }
0xab: {  	s26 =	simm.s32 $execute0_lowered;
	[smem:$0x3FD2] =	sst s25  }
0xac: {  	s6 =	sshll.u32 s26, $0x1;
	_ =	strace $0x80000046;
	[dreg:$0x1] =	wrdreg $0xFFFFFFFF  }
0xad: {  	s28 =	simm.s32 $_size_execute0_lowered;
	s4 =	sadd.s32 s4, s6;
	[dreg:$0x0] =	wrdreg $0x0  }
0xae: {  	s6 =	sshll.u32 s28, $0x1;
	[dreg:$0x2] =	wrdreg s4  }
0xaf: {  	[dreg:$0x3] =	wrdreg s6  }
0xb0: {  	[dreg:$0x4] =	wrdreg $0xC0  }
0xb1: {  	_ =	task [dreg:s8], $0x5FFFF  }
0xb2: {  	[dreg:$0x1] =	wrdreg $0xFFFFFFFF  }
0xb3: {  	[dreg:$0x0] =	wrdreg $0x60  }
0xb4: {  	[dreg:$0x2] =	wrdreg s24  }
0xb5: {  	[dreg:$0x3] =	wrdreg s16  }
0xb6: {  	[dreg:$0x4] =	wrdreg s17  }
0xb7: {  	[dreg:$0x5] =	wrdreg $0x9  }
0xb8: {  	_ =	task.clear_ibuf [dreg:s8], $0x6FFFF;
	_ =	strace $0x90000046  }
0xb9: {  	s29 =	simm.s32 $0x9;
	_ =	strace $0x80000048  }
0xba: {  	_ =	swait.ge [sflag:s29], $0x1  }
0xbb: {  	[sflag:s29] =	ssyncadd.s32 $0xFFFFFFFF  }
0xbc: {  	_ =	strace $0x90000048  }
0xbd: {  	_ =	sfence  }
0xbe: {  	s30 =	sld [smem:$0x0];
	_ =	sdelay $0x2  }
0xbf: {  	s31 =	sshll.u32 s1, $0xD;
	s1 =	sshrl.u32 s1, $0x2  }
0xc0: {  	s3 =	sand.u32 $0x4000, s31;
	s1 =	sadd.s32 s1, s30  }
0xc1: {  	s0 =	sor.u32 s3, s0;
	s1 =	sshll.u32 s1, $0x11  }
0xc2: {  	s0 =	sor.u32 s1, s0  }
0xc3: {  	s0 =	sadd.s32 $0x8F2B, s0  }
0xc4: {  	[sflag:s0] =	ssyncadd.remote.s32 $0x1  }
0xc5: {  	_ =	sfence.sel $0xFFFF  }
0xc6: {  	[dreg:$0x0] =	wrdreg $0xFFFFFFFF;
	(pc) =	sbr.abs _section_cstart, $3  }
0xc7: {  	[dreg:$0x1] =	wrdreg $0xFFFFFFFF  }
0xc8: {  	_ =	task.clear_ibuf [dreg:s8], $0x2FFFF;
	_ =	strace $0x9FFFFFFF  }
0xc9: {  	(tm) =	ssettm $0x7FFFFFFF  }
tec
execute0_lowered:
.L_overlay_start_1:
0x0: {  	(tag) =	ssettag $0x1  }
0x1: {  	s1 =	rddreg [dreg:$0x0]  }
0x2: {  	s2 =	srdreg.scid;
	s4 =	rddreg [dreg:$0x1]  }
0x3: {  	s0 =	stileid.u32;
	s5 =	rddreg [dreg:$0x2]  }
0x4: {  	s15 =	simm.s32 $0x1;
	s16 =	simm.s32 $0x6000;
	s17 =	simm.s32 $0x7900  }
0x5: {  	s18 =	simm.s32 $0x9200;
	s19 =	simm.s32 $0xAB00;
	s20 =	simm.s32 $0xC400  }
0x6: {  	s21 =	simm.s32 $0xDD00;
	s22 =	simm.s32 $0xF600;
	s23 =	simm.s32 $0x10F00  }
0x7: {  	s24 =	simm.s32 $0x12800;
	s3 =	sand.u32 $0x1, s2;
	s31 =	sshll.u32 s0, $0x1  }
0x8: {  	s25 =	simm.s32 $0x14100;
	s26 =	simm.s32 $0x0;
	s6 =	sor.u32 s3, s31  }
0x9: {  	s2 =	simm.s32 $0x0;
	s7 =	ssub.s32 $0x2, s3;
	s6 =	smul.u32 $0x1900, s6  }
0xa: {  	[smem:$0x7FF] =	sst s2;
	s3 =	sadd.s32 $0x1000, s1;
	s8 =	sshrl.u32 s7, $0x1  }
0xb: {  	_ =	strace $0x80000047;
	s14 =	ssub.s32 s7, s8;
	s6 =	sshrl.u32 s6, $0x3  }
0xc: {  	s14 =	smax.u32 s14, $0x1;
	s1 =	sadd.s32 s6, s1;
	s4 =	sadd.s32 s4, s6  }
0xd: {  	s5 =	sadd.s32 s5, s6;
	s6 =	sadd.s32 $0x1C00, s1;
	s7 =	sadd.s32 $0x8000, s1  }
0xe: {  	s8 =	sadd.s32 $0xE400, s1;
	s9 =	sadd.s32 $0x14800, s1;
	s10 =	sadd.s32 $0x1AC00, s1  }
0xf: {  	s11 =	sadd.s32 $0x21000, s1;
	s12 =	sadd.s32 $0x27400, s1;
	s13 =	sadd.s32 $0x2D800, s1  }
.LBB2_1:
0x10: {  	[tilespmem:s2], [sflag:$0x1] =	stream.linear.gather [hbm4b:s3+s2], $0x6000, $0x38;
	[tilespmem:$0x15A00] =	vst v63  }
0x11: {  	_ =	swait.ge [sflag:s15], $0x6000  }
0x12: {  	[sflag:s15] =	ssyncset.done $0x0  }
0x13: {  	[sflag:s15] =	ssyncadd.s32 $0xFFFFA000  }
0x14: {  	[tilespmem:s16], [sflag:$0x1] =	stream.linear.gather [hbm4b:s4+s2], $0x1900, $0x38;
	[tilespmem:$0x15A00] =	vst v63  }
0x15: {  	_ =	swait.ge [sflag:s15], $0x1900  }
0x16: {  	[sflag:s15] =	ssyncset.done $0x0  }
0x17: {  	[sflag:s15] =	ssyncadd.s32 $0xFFFFE700  }
0x18: {  	[tilespmem:s17], [sflag:$0x1] =	stream.linear.gather [hbm4b:s5+s2], $0x1900, $0x38;
	[tilespmem:$0x15A00] =	vst v63  }
0x19: {  	_ =	swait.ge [sflag:s15], $0x1900  }
0x1a: {  	[sflag:s15] =	ssyncset.done $0x0  }
0x1b: {  	[sflag:s15] =	ssyncadd.s32 $0xFFFFE700  }
0x1c: {  	[tilespmem:s18], [sflag:$0x1] =	stream.linear.gather [hbm4b:s6+s2], $0x1900, $0x38;
	[tilespmem:$0x15A00] =	vst v63  }
0x1d: {  	_ =	swait.ge [sflag:s15], $0x1900  }
0x1e: {  	[sflag:s15] =	ssyncset.done $0x0  }
0x1f: {  	s28 =	simm.s32 $0x0;
	[sflag:s15] =	ssyncadd.s32 $0xFFFFE700  }
0x20: {  	v0 =	vld [tilespmem:s28+$0x9230]  }
0x21: {  	v1 =	vld [tilespmem:s28+$0x6030]  }
0x22: {  	v2 =	vld [tilespmem:s28+$0x6000]  }
0x23: {  	v6 =	vld [tilespmem:s28+$0x7900]  }
0x24: {  	v7 =	vld [tilespmem:s28+$0x6010]  }
0x25: {  	v14 =	vld [tilespmem:s28+$0x7920];
	v3 =	vshll.u32 v0, $0x3  }
0x26: {  	v8 =	vld [tilespmem:s28+$0x7910];
	v5 =	vshll.u32 v1, $0x3;
	v1 =	vadd.s32 $0x4004, v3  }
0x27: {  	v11 =	vld [tilespmem:s28+$0x6020];
	v9 =	vor.u32 $0x6, v5  }
0x28: {  	v0 =	vld [tilespmem:s28+$0x7930];
	v10 =	vadd.s32 $0x4003, v3  }
0x29: {  	v15 =	vld [tilespmem:s28+$0x9200];
	v12 =	vor.u32 $0x5, v5  }
0x2a: {  	v16 =	vld [tilespmem:s28+$0x9210];
	v14 =	vshll.u32 v14, $0x3;
	v13 =	vadd.s32 $0x4001, v3  }
0x2b: {  	v6 =	vshll.u32 v6, $0x3;
	v41 =	vadd.s32 $0x2002, v14;
	v17 =	vld.idx.msk [tilespmem:v1+s2+$0x0], $0xffff  }
0x2c: {  	v43 =	vadd.s32 $0x2003, v6;
	v18 =	vld.idx.msk [tilespmem:v9+s2+$0x0], $0xffff  }
0x2d: {  	v4 =	vshll.u32 v0, $0x3;
	v0 =	vor.u32 $0x4, v5;
	v19 =	vld.idx.msk [tilespmem:v10+s2+$0x0], $0xffff  }
0x2e: {  	v1 =	vadd.s32 $0x2004, v4;
	v20 =	vld.idx.msk [tilespmem:v12+s2+$0x0], $0xffff  }
0x2f: {  	v9 =	vor.u32 $0x3, v5;
	v21 =	vld.idx.msk [tilespmem:v13+s2+$0x0], $0xffff  }
0x30: {  	v10 =	vor.u32 $0x1, v5;
	v41 =	vld.idx.msk [tilespmem:v41+s2+$0x0], $0xffff  }
0x31: {  	v12 =	vadd.s32 $0x2001, v4;
	v43 =	vld.idx.msk [tilespmem:v43+s2+$0x0], $0xffff  }
0x32: {  	v13 =	vor.u32 $0x2, v5;
	v22 =	vld.idx.msk [tilespmem:v0+s2+$0x0], $0xffff  }
0x33: {  	v0 =	vadd.s32 $0x2002, v4;
	v23 =	vld.idx.msk [tilespmem:v1+s2+$0x0], $0xffff  }
0x34: {  	v24 =	vld.idx.msk [tilespmem:v9+s2+$0x0], $0xffff;
	v1 =	vadd.s32 $0x2003, v4  }
0x35: {  	v25 =	vld.idx.msk [tilespmem:v10+s2+$0x0], $0xffff;
	v10 =	vadd.s32 $0x4002, v3  }
0x36: {  	v26 =	vld.idx.msk [tilespmem:v12+s2+$0x0], $0xffff;
	v12 =	vadd.s32 $0x2005, v4  }
0x37: {  	v27 =	vld.idx.msk [tilespmem:v13+s2+$0x0], $0xffff;
	v13 =	vadd.s32 $0x2006, v4  }
0x38: {  	v28 =	vld.idx.msk [tilespmem:v0+s2+$0x0], $0xffff  }
0x39: {  	v48 =	vadd.s32 $0x2003, v14;
	v9 =	vshll.u32 v2, $0x3;
	v29 =	vld.idx.msk [tilespmem:v1+s2+$0x0], $0xffff  }
0x3a: {  	v30 =	vor.u32 $0x1, v9;
	v2 =	vld.idx.msk [tilespmem:v10+s2+$0x0], $0xffff  }
0x3b: {  	v33 =	vor.u32 $0x2, v9;
	v31 =	vld.idx.msk [tilespmem:v12+s2+$0x0], $0xffff  }
0x3c: {  	v0 =	vadd.s32 $0x4005, v3;
	v32 =	vld.idx.msk [tilespmem:v13+s2+$0x0], $0xffff  }
0x3d: {  	v1 =	vadd.s32 $0x4006, v3;
	v13 =	vshll.u32 v8, $0x3;
	v8 =	vld [tilespmem:s28+$0x9220]  }
0x3e: {  	v12 =	vadd.s32 $0x2001, v6;
	v25 =	vadd.f32 v26, v25;
	v26 =	vld.idx.msk [tilespmem:v48+s2+$0x0], $0xffff  }
0x3f: {  	v10 =	vshll.u32 v7, $0x3;
	v35 =	vadd.s32 $0x2001, v13;
	v30 =	vld.idx.msk [tilespmem:v30+s2+$0x0], $0xffff  }
0x40: {  	v36 =	vor.u32 $0x2, v10;
	v33 =	vld.idx.msk [tilespmem:v33+s2+$0x0], $0xffff  }
0x41: {  	v44 =	vor.u32 $0x3, v10;
	v34 =	vld.idx.msk [tilespmem:v0+s2+$0x0], $0xffff  }
0x42: {  	v54 =	vadd.s32 $0x2005, v13;
	v7 =	vld.idx.msk [tilespmem:v1+s2+$0x0], $0xffff  }
0x43: {  	v50 =	vor.u32 $0x4, v9;
	v37 =	vld.idx.msk [tilespmem:v12+s2+$0x0], $0xffff  }
0x44: {  	v0 =	vadd.s32 $0x2002, v6;
	v35 =	vld.idx.msk [tilespmem:v35+s2+$0x0], $0xffff  }
0x45: {  	v27 =	vadd.f32 v28, v27;
	v1 =	vor.u32 $0x1, v10;
	v36 =	vld.idx.msk [tilespmem:v36+s2+$0x0], $0xffff  }
0x46: {  	v12 =	vshll.u32 v11, $0x3;
	v11 =	vadd.s32 $0x2002, v13;
	v24 =	vadd.f32 v29, v24;
	v44 =	vld.idx.msk [tilespmem:v44+s2+$0x0], $0xffff  }
0x47: {  	v22 =	vadd.f32 v23, v22;
	v56 =	vor.u32 $0x4, v10;
	v21 =	vadd.f32 v21, v25;
	v54 =	vld.idx.msk [tilespmem:v54+s2+$0x0], $0xffff  }
0x48: {  	v29 =	vadd.s32 $0x2004, v13;
	v25 =	vadd.f32 v2, v27;
	v19 =	vadd.f32 v19, v24;
	v24 =	vld.idx.msk [tilespmem:v50+s2+$0x0], $0xffff  }
0x49: {  	v17 =	vadd.f32 v17, v22;
	v18 =	vadd.f32 v32, v18;
	v38 =	vor.u32 $0x1, v12;
	v39 =	vld.idx.msk [tilespmem:v0+s2+$0x0], $0xffff  }
0x4a: {  	v47 =	vor.u32 $0x3, v12;
	v2 =	vshll.u32 v8, $0x3;
	v22 =	vmax.f32 v21, v25;
	v40 =	vld.idx.msk [tilespmem:v1+s2+$0x0], $0xffff  }
0x4b: {  	v8 =	vadd.f32 v31, v20;
	v57 =	vor.u32 $0x4, v12;
	v22 =	vmax.f32 v22, v19;
	v11 =	vld.idx.msk [tilespmem:v11+s2+$0x0], $0xffff  }
0x4c: {  	v20 =	vadd.s32 $0x4001, v2;
	v7 =	vadd.f32 v7, v18;
	v18 =	vmax.f32 v22, v17;
	v22 =	vld.idx.msk [tilespmem:v56+s2+$0x0], $0xffff  }
0x4d: {  	v27 =	vadd.s32 $0x4002, v2;
	v8 =	vadd.f32 v34, v8;
	v29 =	vld.idx.msk [tilespmem:v29+s2+$0x0], $0xffff  }
0x4e: {  	v55 =	vor.u32 $0x5, v12;
	v38 =	vld.idx.msk [tilespmem:v38+s2+$0x0], $0xffff  }
0x4f: {  	v0 =	vadd.s32 $0x2001, v14;
	v47 =	vld.idx.msk [tilespmem:v47+s2+$0x0], $0xffff;
	v18 =	vmax.f32 v18, v8  }
0x50: {  	v1 =	vor.u32 $0x2, v12;
	v32 =	vld.idx.msk [tilespmem:v57+s2+$0x0], $0xffff;
	v18 =	vmax.f32 v18, v7  }
0x51: {  	v42 =	vor.u32 $0x3, v9;
	v20 =	vld.idx.msk [tilespmem:v20+s2+$0x0], $0xffff;
	v21 =	vsub.f32 v21, v18;
	v25 =	vsub.f32 v25, v18  }
0x52: {  	v58 =	vadd.s32 $0x2004, v14;
	v27 =	vld.idx.msk [tilespmem:v27+s2+$0x0], $0xffff;
	v19 =	vsub.f32 v19, v18;
	v17 =	vsub.f32 v17, v18  }
0x53: {  	v60 =	vadd.s32 $0x2005, v6;
	v8 =	vsub.f32 v8, v18;
	v7 =	vsub.f32 v7, v18;
	v18 =	vld.idx.msk [tilespmem:v55+s2+$0x0], $0xffff  }
0x54: {  	v45 =	vld.idx.msk [tilespmem:v0+s2+$0x0], $0xffff;
	v0 =	vadd.s32 $0x2003, v13  }
0x55: {  	v62 =	vor.u32 $0x5, v10;
	v46 =	vld.idx.msk [tilespmem:v1+s2+$0x0], $0xffff;
	v1 =	vshll.u32 v15, $0x3;
	v21 =	vmul.f32 $1.442695020e+00, v21  }
0x56: {  	v15 =	vld.idx.msk [tilespmem:v42+s2+$0x0], $0xffff;
	v25 =	vmul.f32 $1.442695020e+00, v25;
	v63 =	vadd.s32 $0x4001, v1  }
0x57: {  	v56 =	vadd.s32 $0x4003, v2;
	v42 =	vld.idx.msk [tilespmem:v58+s2+$0x0], $0xffff;
	(erf) = vpow2.f32 v21  }
0x58: {  	v19 =	vmul.f32 $1.442695020e+00, v19;
	v49 =	vadd.s32 $0x4002, v1;
	(erf) = vpow2.f32 v25;
	v25 =	vld.idx.msk [tilespmem:v60+s2+$0x0], $0xffff  }
0x59: {  	v59 =	vadd.s32 $0x4003, v1;
	v51 =	vld.idx.msk [tilespmem:v0+s2+$0x0], $0xffff;
	v0 =	vshll.u32 v16, $0x3  }
0x5a: {  	v17 =	vmul.f32 $1.442695020e+00, v17;
	(erf) = vpow2.f32 v19;
	v19 =	vld.idx.msk [tilespmem:v62+s2+$0x0], $0xffff;
	v52 =	vadd.s32 $0x4001, v0  }
0x5b: {  	v28 =	vld.idx.msk [tilespmem:v63+s2+$0x0], $0xffff;
	v63 =	vor.u32 $0x5, v9  }
0x5c: {  	v61 =	vadd.s32 $0x4003, v0;
	(erf) = vpow2.f32 v17;
	v17 =	vld.idx.msk [tilespmem:v56+s2+$0x0], $0xffff  }
0x5d: {  	v60 =	vadd.s32 $0x4004, v1;
	v23 =	vld.idx.msk [tilespmem:v49+s2+$0x0], $0xffff  }
0x5e: {  	v16 =	vadd.s32 $0x2004, v6;
	v48 =	vld.idx.msk [tilespmem:v59+s2+$0x0], $0xffff  }
0x5f: {  	v53 =	vadd.s32 $0x4002, v0;
	v31 =	vld.idx.msk [tilespmem:v52+s2+$0x0], $0xffff  }
0x60: {  	v21 =	vld.idx.msk [tilespmem:v63+s2+$0x0], $0xffff;
	v63 =	vadd.s32 $0x2005, v14  }
0x61: {  	v8 =	vmul.f32 $1.442695020e+00, v8;
	v52 =	vld.idx.msk [tilespmem:v61+s2+$0x0], $0xffff;
	v61 =	vor.u32 $0x6, v9  }
0x62: {  	v57 =	vadd.s32 $0x2006, v6;
	v50 =	vld.idx.msk [tilespmem:v60+s2+$0x0], $0xffff  }
0x63: {  	v7 =	vmul.f32 $1.442695020e+00, v7;
	(erf) = vpow2.f32 v8;
	v16 =	vld.idx.msk [tilespmem:v16+s2+$0x0], $0xffff  }
0x64: {  	v56 =	vadd.s32 $0x2000, v4;
	v8 =	vadd.s32 $0x4000, v3;
	v34 =	vld.idx.msk [tilespmem:v53+s2+$0x0], $0xffff;
	v4 =	vpop (erf)  }
0x65: {  	(erf) = vpow2.f32 v7;
	v3 =	vpop (erf);
	v49 =	vld.idx.msk [tilespmem:v63+s2+$0x0], $0xffff;
	[tilespmem:$0x1FE90] =	vst v4  }
0x66: {  	v53 =	vld.idx.msk [tilespmem:v61+s2+$0x0], $0xffff;
	[tilespmem:$0x1FEB0] =	vst v3  }
0x67: {  	v30 =	vadd.f32 v37, v30;
	v55 =	vadd.s32 $0x4004, v0;
	v7 =	vadd.f32 v3, v4;
	v3 =	vpop (erf);
	v37 =	vld.idx.msk [tilespmem:v57+s2+$0x0], $0xffff  }
0x68: {  	v33 =	vadd.f32 v39, v33;
	v58 =	vor.u32 $0x6, v10;
	v35 =	vadd.f32 v35, v40;
	v39 =	vld.idx.msk [tilespmem:v5+s2+$0x0], $0xffff;
	[tilespmem:$0x1FEC0] =	vst v3  }
0x69: {  	v38 =	vadd.f32 v45, v38;
	v59 =	vadd.s32 $0x2006, v13;
	v60 =	vadd.s32 $0x4004, v2;
	v40 =	vld.idx.msk [tilespmem:v8+s2+$0x0], $0xffff  }
0x6a: {  	v5 =	vmov v2;
	v8 =	vadd.f32 v7, v3;
	v45 =	vld.idx.msk [tilespmem:v56+s2+$0x0], $0xffff;
	v56 =	vadd.s32 $0x4005, v2;
	v2 =	vpop (erf)  }
0x6b: {  	v36 =	vadd.f32 v11, v36;
	v61 =	vor.u32 $0x6, v12;
	[tilespmem:$0x1FED0] =	vst v2  }
0x6c: {  	v62 =	vadd.s32 $0x2006, v14;
	v15 =	vadd.f32 v43, v15;
	v43 =	vld.idx.msk [tilespmem:v55+s2+$0x0], $0xffff;
	v11 =	vadd.f32 v8, v2;
	v2 =	vpop (erf)  }
0x6d: {  	v44 =	vadd.f32 v51, v44;
	v28 =	vadd.f32 v28, v30;
	v57 =	vadd.s32 $0x4005, v1;
	v51 =	vld.idx.msk [tilespmem:v58+s2+$0x0], $0xffff;
	[tilespmem:$0x1FEE0] =	vst v2  }
0x6e: {  	v6 =	vadd.s32 $0x2000, v6;
	v23 =	vadd.f32 v23, v33;
	v30 =	vld.idx.msk [tilespmem:v59+s2+$0x0], $0xffff;
	v33 =	vadd.f32 v11, v2;
	v2 =	vpop (erf)  }
0x6f: {  	v63 =	vadd.s32 $0x4005, v0;
	v58 =	vld.idx.msk [tilespmem:v60+s2+$0x0], $0xffff;
	[tilespmem:$0x1FEA0] =	vst v2  }
0x70: {  	v16 =	vadd.f32 v16, v24;
	v24 =	vadd.f32 v31, v35;
	v31 =	vld.idx.msk [tilespmem:v61+s2+$0x0], $0xffff  }
0x71: {  	v41 =	vadd.f32 v41, v46;
	v46 =	vadd.s32 $0x4006, v1;
	v35 =	vld.idx.msk [tilespmem:v62+s2+$0x0], $0xffff  }
0x72: {  	v22 =	vadd.f32 v29, v22;
	v26 =	vadd.f32 v26, v47;
	v47 =	vadd.s32 $0x4006, v5;
	v29 =	vld.idx.msk [tilespmem:v57+s2+$0x0], $0xffff  }
0x73: {  	v55 =	vadd.s32 $0x4006, v0;
	v33 =	vadd.f32 v33, v2;
	v2 =	vld.idx.msk [tilespmem:v6+s2+$0x0], $0xffff  }
0x74: {  	v44 =	vadd.f32 v52, v44;
	v57 =	vld.idx.msk [tilespmem:v63+s2+$0x0], $0xffff  }
0x75: {  	v21 =	vadd.f32 v25, v21;
	v52 =	vadd.f32 v50, v16;
	v25 =	vld.idx.msk [tilespmem:v56+s2+$0x0], $0xffff  }
0x76: {  	v13 =	vadd.s32 $0x2000, v13;
	v59 =	vadd.f32 v48, v15;
	v16 =	vadd.f32 v45, v39;
	v48 =	vld.idx.msk [tilespmem:v46+s2+$0x0], $0xffff  }
0x77: {  	v17 =	vadd.f32 v17, v26;
	v60 =	vld.idx.msk [tilespmem:v47+s2+$0x0], $0xffff  }
0x78: {  	v26 =	vadd.f32 v49, v18;
	v49 =	vld.idx.msk [tilespmem:v55+s2+$0x0], $0xffff;
	[tilespmem:$0x1FEF0] =	vst v2;
	v2 =	vadd.f32 v40, v16;
	_ =	sdelay $0x1  }
0x79: {  	[tilespmem:$0x1FF60] =	vst v2  }
0x7a: {  	v2 =	vld.idx.msk [tilespmem:v13+s2+$0x0], $0xffff  }
0x7b: {  	v20 =	vadd.f32 v20, v38;
	v38 =	vadd.s32 $0x2000, v14;
	_ =	sdelay $0x3  }
0x7c: {  	[tilespmem:$0x1FF10] =	vst v2  }
0x7d: {  	v2 =	vld.idx.msk [tilespmem:v38+s2+$0x0], $0xffff;
	_ =	sdelay $0x4  }
0x7e: {  	[tilespmem:$0x1FF30] =	vst v2  }
0x7f: {  	v2 =	vld.idx.msk [tilespmem:v9+s2+$0x0], $0xffff;
	_ =	sdelay $0x4  }
0x80: {  	[tilespmem:$0x1FF00] =	vst v2  }
0x81: {  	v2 =	vld.idx.msk [tilespmem:v10+s2+$0x0], $0xffff;
	_ =	sdelay $0x1  }
0x82: {  	v41 =	vadd.f32 v27, v41;
	v34 =	vadd.f32 v34, v36  }
0x83: {  	v27 =	vadd.f32 v42, v32;
	v19 =	vadd.f32 v54, v19  }
0x84: {  	v14 =	vmax.f32 v24, v34;
	v15 =	vmax.f32 v20, v41;
	v62 =	vmax.f32 v28, v23  }
0x85: {  	v37 =	vadd.f32 v37, v53;
	v61 =	vmax.f32 v14, v44;
	v18 =	vmax.f32 v62, v59;
	[tilespmem:$0x1FF20] =	vst v2  }
0x86: {  	v43 =	vadd.f32 v43, v22;
	v22 =	vmax.f32 v15, v17;
	v30 =	vadd.f32 v30, v51;
	v2 =	vld.idx.msk [tilespmem:v12+s2+$0x0], $0xffff  }
0x87: {  	(erf) = vrcp.f32 v33;
	v63 =	vadd.f32 v58, v27;
	v27 =	vadd.f32 v35, v31  }
0x88: {  	v62 =	vmax.f32 v18, v52;
	v21 =	vadd.f32 v29, v21;
	v26 =	vadd.f32 v25, v26  }
0x89: {  	v29 =	vadd.f32 v57, v19;
	v27 =	vadd.f32 v60, v27;
	v9 =	vmax.f32 v22, v63  }
0x8a: {  	v31 =	vmax.f32 v61, v43;
	v32 =	vadd.f32 v48, v37;
	v9 =	vmax.f32 v9, v26  }
0x8b: {  	s29 =	simm.s32 $0x40;
	v30 =	vadd.f32 v49, v30;
	v22 =	vmax.f32 v31, v29;
	v33 =	vmax.f32 v9, v27;
	[tilespmem:$0x1FF40] =	vst v2  }
0x8c: {  	v20 =	vsub.f32 v20, v33;
	v53 =	vsub.f32 v41, v33;
	v10 =	vmax.f32 v62, v21;
	v12 =	vld [tilespmem:s29+$0x9230]  }
0x8d: {  	v17 =	vsub.f32 v17, v33;
	v62 =	vsub.f32 v63, v33;
	v10 =	vmax.f32 v10, v32;
	v31 =	vld [tilespmem:s29+$0x6030]  }
0x8e: {  	v25 =	vsub.f32 v28, v10;
	v23 =	vsub.f32 v23, v10;
	v28 =	vmax.f32 v22, v30;
	v9 =	vld [tilespmem:s29+$0x6000]  }
0x8f: {  	v55 =	vsub.f32 v59, v10;
	v22 =	vsub.f32 v24, v28;
	v35 =	vld [tilespmem:s29+$0x7900]  }
0x90: {  	v17 =	vmul.f32 $1.442695020e+00, v17;
	v36 =	vsub.f32 v52, v10;
	v21 =	vsub.f32 v21, v10;
	v40 =	vld [tilespmem:s29+$0x6010]  }
0x91: {  	v57 =	vsub.f32 v44, v28;
	v56 =	vmul.f32 $1.442695020e+00, v22;
	v42 =	vld [tilespmem:s29+$0x7910];
	v22 =	vshll.u32 v12, $0x3  }
0x92: {  	v54 =	vmul.f32 $1.442695020e+00, v23;
	v44 =	vld [tilespmem:s29+$0x6020];
	v23 =	vshll.u32 v31, $0x3;
	v31 =	vadd.s32 $0x4004, v22  }
0x93: {  	v25 =	vmul.f32 $1.442695020e+00, v25;
	v12 =	vmul.f32 $1.442695020e+00, v20;
	v20 =	vld [tilespmem:s29+$0x7930];
	v58 =	vor.u32 $0x6, v23  }
0x94: {  	v24 =	vsub.f32 v34, v28;
	v34 =	vmul.f32 $1.442695020e+00, v53;
	v46 =	vld [tilespmem:s29+$0x7920];
	v59 =	vadd.s32 $0x4003, v22  }
0x95: {  	v43 =	vsub.f32 v43, v28;
	(erf) = vpow2.f32 v25;
	v49 =	vld [tilespmem:s29+$0x9200];
	v60 =	vor.u32 $0x5, v23  }
0x96: {  	v24 =	vmul.f32 $1.442695020e+00, v24;
	(erf) = vpow2.f32 v54;
	v50 =	vld [tilespmem:s29+$0x9210];
	v61 =	vadd.s32 $0x4001, v22  }
0x97: {  	v29 =	vsub.f32 v29, v28;
	(erf) = vpow2.f32 v56;
	v63 =	vor.u32 $0x3, v23;
	v31 =	vld.idx.msk [tilespmem:v31+s2+$0x0], $0xffff  }
0x98: {  	(erf) = vpow2.f32 v24;
	v25 =	vshll.u32 v20, $0x3;
	v20 =	vor.u32 $0x4, v23;
	v45 =	vld.idx.msk [tilespmem:v58+s2+$0x0], $0xffff  }
0x99: {  	v38 =	vmul.f32 $1.442695020e+00, v55;
	(erf) = vpow2.f32 v12;
	v12 =	vor.u32 $0x1, v23;
	v48 =	vld.idx.msk [tilespmem:v59+s2+$0x0], $0xffff  }
0x9a: {  	v41 =	vmul.f32 $1.442695020e+00, v57;
	(erf) = vpow2.f32 v34;
	v47 =	vadd.s32 $0x2004, v25;
	v52 =	vld.idx.msk [tilespmem:v60+s2+$0x0], $0xffff  }
0x9b: {  	v43 =	vmul.f32 $1.442695020e+00, v43;
	(erf) = vpow2.f32 v38;
	v60 =	vadd.s32 $0x2001, v25;
	v51 =	vld.idx.msk [tilespmem:v61+s2+$0x0], $0xffff  }
0x9c: {  	v38 =	vsub.f32 v32, v10;
	v61 =	vmul.f32 $1.442695020e+00, v62;
	v62 =	vor.u32 $0x2, v23;
	v32 =	vld.idx.msk [tilespmem:v63+s2+$0x0], $0xffff  }
0x9d: {  	v57 =	vmul.f32 $1.442695020e+00, v21;
	v56 =	vld.idx.msk [tilespmem:v20+s2+$0x0], $0xffff;
	v20 =	vsub.f32 v26, v33;
	v26 =	vadd.s32 $0x2002, v25  }
0x9e: {  	v24 =	vmul.f32 $1.442695020e+00, v36;
	v2 =	vmul.f32 $1.442695020e+00, v29;
	v10 =	vadd.s32 $0x2003, v25;
	v36 =	vld.idx.msk [tilespmem:v12+s2+$0x0], $0xffff  }
0x9f: {  	v8 =	vshll.u32 v9, $0x3;
	(erf) = vpow2.f32 v41;
	v12 =	vadd.s32 $0x4002, v22;
	v47 =	vld.idx.msk [tilespmem:v47+s2+$0x0], $0xffff  }
0xa0: {  	v34 =	vsub.f32 v30, v28;
	(erf) = vpow2.f32 v17;
	v21 =	vadd.s32 $0x2005, v25;
	v28 =	vld.idx.msk [tilespmem:v60+s2+$0x0], $0xffff  }
0xa1: {  	v9 =	vshll.u32 v35, $0x3;
	v30 =	vadd.s32 $0x2006, v25;
	(erf) = vpow2.f32 v24;
	v24 =	vld.idx.msk [tilespmem:v62+s2+$0x0], $0xffff  }
0xa2: {  	v6 =	vshll.u32 v40, $0x3;
	v3 =	vshll.u32 v44, $0x3;
	v41 =	vadd.s32 $0x4005, v22;
	v26 =	vld.idx.msk [tilespmem:v26+s2+$0x0], $0xffff  }
0xa3: {  	v29 =	vpop (erf);
	v37 =	vshll.u32 v46, $0x3;
	(erf) = vpow2.f32 v43;
	v43 =	vadd.s32 $0x4006, v22;
	v35 =	vld.idx.msk [tilespmem:v10+s2+$0x0], $0xffff  }
0xa4: {  	v39 =	vshll.u32 v50, $0x3;
	v53 =	vor.u32 $0x1, v8;
	v46 =	vor.u32 $0x2, v6;
	v40 =	vld.idx.msk [tilespmem:v12+s2+$0x0], $0xffff  }
0xa5: {  	v54 =	vadd.s32 $0x2001, v9;
	v55 =	vor.u32 $0x2, v8;
	v59 =	vor.u32 $0x1, v6;
	v58 =	vld.idx.msk [tilespmem:v21+s2+$0x0], $0xffff  }
0xa6: {  	(erf) = vpow2.f32 v61;
	v33 =	vsub.f32 v27, v33;
	v30 =	vld.idx.msk [tilespmem:v30+s2+$0x0], $0xffff;
	v4 =	vmul.f32 $1.442695020e+00, v20  }
0xa7: {  	v41 =	vld.idx.msk [tilespmem:v41+s2+$0x0], $0xffff;
	v20 =	vshll.u32 v42, $0x3;
	v28 =	vadd.f32 v28, v36;
	v24 =	vadd.f32 v26, v24  }
0xa8: {  	v42 =	vadd.s32 $0x2002, v9;
	v32 =	vadd.f32 v35, v32;
	v63 =	vadd.f32 v47, v56;
	v26 =	vld.idx.msk [tilespmem:v43+s2+$0x0], $0xffff  }
0xa9: {  	v46 =	vld.idx.msk [tilespmem:v46+s2+$0x0], $0xffff;
	v61 =	vor.u32 $0x1, v3;
	v28 =	vadd.f32 v51, v28;
	v40 =	vadd.f32 v40, v24  }
0xaa: {  	v62 =	vld [tilespmem:s29+$0x9220];
	v60 =	vadd.s32 $0x2002, v20;
	v32 =	vadd.f32 v48, v32;
	v24 =	vadd.f32 v58, v52  }
0xab: {  	v36 =	vld.idx.msk [tilespmem:v53+s2+$0x0], $0xffff;
	v30 =	vadd.f32 v30, v45;
	v52 =	vadd.f32 v31, v63;
	v31 =	vmax.f32 v28, v40  }
0xac: {  	v47 =	vor.u32 $0x2, v3;
	v53 =	vld.idx.msk [tilespmem:v54+s2+$0x0], $0xffff;
	v41 =	vadd.f32 v41, v24;
	v24 =	vmax.f32 v31, v32  }
0xad: {  	v44 =	vadd.s32 $0x2001, v20;
	v42 =	vld.idx.msk [tilespmem:v42+s2+$0x0], $0xffff;
	v56 =	vadd.f32 v26, v30;
	v24 =	vmax.f32 v24, v52  }
0xae: {  	v16 =	vpop (erf);
	v21 =	vshll.u32 v49, $0x3;
	v51 =	vadd.s32 $0x2002, v37;
	v48 =	vld.idx.msk [tilespmem:v55+s2+$0x0], $0xffff;
	v24 =	vmax.f32 v24, v41  }
0xaf: {  	v11 =	vpop (erf);
	v50 =	vadd.s32 $0x4001, v21;
	v45 =	vor.u32 $0x3, v8;
	v55 =	vld.idx.msk [tilespmem:v59+s2+$0x0], $0xffff;
	v31 =	vmax.f32 v24, v56  }
0xb0: {  	v14 =	vpop (erf);
	v54 =	vadd.s32 $0x2003, v9;
	v49 =	vld.idx.msk [tilespmem:v60+s2+$0x0], $0xffff;
	v43 =	vadd.s32 $0x2001, v37;
	v28 =	vsub.f32 v28, v31  }
0xb1: {  	v15 =	vpop (erf);
	v47 =	vld.idx.msk [tilespmem:v47+s2+$0x0], $0xffff;
	v63 =	vadd.s32 $0x2003, v37;
	v40 =	vsub.f32 v40, v31;
	v32 =	vsub.f32 v32, v31  }
0xb2: {  	v10 =	vmovc v9;
	v30 =	vld.idx.msk [tilespmem:v44+s2+$0x0], $0xffff;
	v44 =	vor.u32 $0x3, v3;
	v52 =	vsub.f32 v52, v31;
	v28 =	vmul.f32 $1.442695020e+00, v28  }
0xb3: {  	v12 =	vpop (erf);
	v59 =	vadd.s32 $0x2003, v20;
	v51 =	vld.idx.msk [tilespmem:v51+s2+$0x0], $0xffff;
	v40 =	vmul.f32 $1.442695020e+00, v40;
	v32 =	vmul.f32 $1.442695020e+00, v32  }
0xb4: {  	v13 =	vpop (erf);
	v60 =	vld.idx.msk [tilespmem:v61+s2+$0x0], $0xffff;
	v61 =	vadd.f32 v53, v36;
	v58 =	vor.u32 $0x3, v6;
	(erf) = vpow2.f32 v28  }
0xb5: {  	v9 =	vmovc v6;
	v6 =	vmovc v3;
	v43 =	vld.idx.msk [tilespmem:v43+s2+$0x0], $0xffff;
	v41 =	vsub.f32 v41, v31;
	v36 =	vmul.f32 $1.442695020e+00, v52;
	(erf) = vpow2.f32 v40  }
0xb6: {  	v42 =	vadd.f32 v42, v48;
	v48 =	vadd.s32 $0x4002, v21;
	v63 =	vld.idx.msk [tilespmem:v63+s2+$0x0], $0xffff;
	v52 =	vpop (erf);
	(erf) = vpow2.f32 v32  }
0xb7: {  	v31 =	vsub.f32 v56, v31;
	v27 =	vmul.f32 $1.442695020e+00, v41;
	v41 =	vld.idx.msk [tilespmem:v44+s2+$0x0], $0xffff;
	v32 =	vpop (erf);
	(erf) = vpow2.f32 v36  }
0xb8: {  	v50 =	vld.idx.msk [tilespmem:v50+s2+$0x0], $0xffff;
	v51 =	vadd.f32 v51, v47;
	v40 =	vor.u32 $0x4, v8;
	v17 =	vpop (erf);
	(erf) = vpow2.f32 v57  }
0xb9: {  	v45 =	vld.idx.msk [tilespmem:v45+s2+$0x0], $0xffff;
	v3 =	vadd.f32 v30, v55;
	v31 =	vmul.f32 $1.442695020e+00, v31;
	v47 =	vpop (erf);
	(erf) = vpow2.f32 v27  }
0xba: {  	v59 =	vld.idx.msk [tilespmem:v59+s2+$0x0], $0xffff;
	v60 =	vadd.f32 v43, v60;
	v43 =	vadd.s32 $0x2004, v10;
	v55 =	vpop (erf);
	(erf) = vpow2.f32 v2  }
0xbb: {  	v49 =	vadd.f32 v49, v46;
	v58 =	vld.idx.msk [tilespmem:v58+s2+$0x0], $0xffff;
	v56 =	vadd.s32 $0x4001, v39;
	(erf) = vpow2.f32 v31  }
0xbc: {  	v46 =	vld.idx.msk [tilespmem:v54+s2+$0x0], $0xffff;
	v57 =	vadd.s32 $0x4002, v39;
	v35 =	vpop (erf);
	(erf) = vpow2.f32 v4;
	v4 =	vadd.f32 v63, v41  }
0xbd: {  	v26 =	vshll.u32 v62, $0x3;
	v62 =	vld.idx.msk [tilespmem:v40+s2+$0x0], $0xffff;
	v40 =	vpop (erf)  }
0xbe: {  	v38 =	vmul.f32 $1.442695020e+00, v38;
	v54 =	vor.u32 $0x4, v9;
	v48 =	vld.idx.msk [tilespmem:v48+s2+$0x0], $0xffff;
	v2 =	vpop (erf)  }
0xbf: {  	v34 =	vmul.f32 $1.442695020e+00, v34;
	v43 =	vld.idx.msk [tilespmem:v43+s2+$0x0], $0xffff;
	v31 =	vadd.s32 $0x2004, v20;
	[tilespmem:$0x1FF90] =	vst v2;
	v41 =	vadd.f32 v2, v40  }
0xc0: {  	v58 =	vadd.f32 v59, v58;
	v59 =	vadd.s32 $0x4001, v26;
	(erf) = vpow2.f32 v38;
	v38 =	vld.idx.msk [tilespmem:v56+s2+$0x0], $0xffff;
	[tilespmem:$0x1FF50] =	vst v4;
	v4 =	vpop (erf)  }
0xc1: {  	v1 =	vadd.s32 $0x4000, v1;
	v57 =	vld.idx.msk [tilespmem:v57+s2+$0x0], $0xffff;
	[tilespmem:$0x1FFA0] =	vst v4;
	v63 =	vadd.f32 v41, v4;
	v4 =	vadd.f32 v50, v61  }
0xc2: {  	(erf) = vpow2.f32 v34;
	v34 =	vadd.s32 $0x4002, v26  }
0xc3: {  	v45 =	vadd.f32 v46, v45;
	v46 =	vld.idx.msk [tilespmem:v54+s2+$0x0], $0xffff;
	[tilespmem:$0x1FF80] =	vst v4;
	v4 =	vadd.f32 v48, v42  }
0xc4: {  	v31 =	vld.idx.msk [tilespmem:v31+s2+$0x0], $0xffff  }
0xc5: {  	v2 =	vadd.s32 $0x4000, v0;
	v0 =	vadd.f32 v11, v16;
	v41 =	vpop (erf);
	v59 =	vld.idx.msk [tilespmem:v59+s2+$0x0], $0xffff;
	[tilespmem:$0x1FF70] =	vst v4;
	v3 =	vadd.f32 v38, v3  }
0xc6: {  	v33 =	vmul.f32 $1.442695020e+00, v33;
	v63 =	vadd.f32 v63, v41;
	v28 =	vld.idx.msk [tilespmem:v1+s2+$0x0], $0xffff  }
0xc7: {  	v50 =	vadd.s32 $0x4000, v5;
	v0 =	vadd.f32 v0, v52;
	v34 =	vld.idx.msk [tilespmem:v34+s2+$0x0], $0xffff;
	[tilespmem:$0x1FFC0] =	vst v3;
	v3 =	vadd.f32 v57, v49  }
0xc8: {  	(erf) = vpow2.f32 v33;
	v33 =	vor.u32 $0x4, v6;
	v24 =	vpop (erf)  }
0xc9: {  	v62 =	vadd.f32 v43, v62;
	v43 =	vpop (erf);
	v1 =	vadd.f32 v0, v47;
	[tilespmem:$0x1FFB0] =	vst v3  }
0xca: {  	v0 =	vadd.f32 v63, v43;
	v63 =	vpop (erf);
	v19 =	vld.idx.msk [tilespmem:v2+s2+$0x0], $0xffff;
	v2 =	vadd.f32 v59, v60  }
0xcb: {  	v53 =	vmov v10;
	v38 =	vpop (erf);
	[tilespmem:$0x1FFF0] =	vst v8  }
0xcc: {  	v10 =	vmov v9;
	v42 =	vadd.s32 $0x2004, v37;
	v1 =	vadd.f32 v1, v24;
	v30 =	vpop (erf);
	v50 =	vld.idx.msk [tilespmem:v50+s2+$0x0], $0xffff;
	[tilespmem:$0x1FFD0] =	vst v2  }
0xcd: {  	v0 =	vadd.f32 v0, v38;
	v2 =	vor.u32 $0x5, v10;
	v59 =	vld.idx.msk [tilespmem:v33+s2+$0x0], $0xffff;
	v33 =	vpop (erf)  }
0xce: {  	v61 =	vadd.f32 v1, v33  }
0xcf: {  	(erf) = vrcp.f32 v0;
	v0 =	vadd.f32 v34, v51;
	_ =	sdelay $0x1  }
0xd0: {  	v4 =	vadd.s32 $0x4003, v21;
	v9 =	vld.idx.msk [tilespmem:v42+s2+$0x0], $0xffff;
	[tilespmem:$0x1FFE0] =	vst v0  }
0xd1: {  	v1 =	vadd.f32 v13, v12;
	(erf) = vrcp.f32 v61;
	v61 =	vmov v13;
	v13 =	vld.idx.msk [tilespmem:v2+s2+$0x0], $0xffff  }
0xd2: {  	v2 =	vld [tilespmem:$0x1FEC0];
	_ =	sdelay $0x2  }
0xd3: {  	v27 =	vmovc v6;
	v6 =	vmov v8;
	v54 =	vor.u32 $0x5, v8;
	v3 =	vadd.s32 $0x2005, v53;
	v8 =	vld.idx.msk [tilespmem:v4+s2+$0x0], $0xffff  }
0xd4: {  	v4 =	vld [tilespmem:$0x1FE90]  }
0xd5: {  	v44 =	vadd.f32 v31, v46;
	v31 =	vmovc v15;
	v0 =	vadd.f32 v15, v14;
	v15 =	vmul.f32 v29, v2;
	v2 =	vld [tilespmem:$0x1FED0];
	_ =	sdelay $0x1  }
0xd6: {  	v5 =	vld [tilespmem:$0x1FEB0]  }
0xd7: {  	v56 =	vmov v11;
	v11 =	vld.idx.msk [tilespmem:v3+s2+$0x0], $0xffff;
	v3 =	vor.u32 $0x5, v27  }
0xd8: {  	v36 =	vmov v16;
	v16 =	vmul.f32 v29, v4;
	v4 =	vld [tilespmem:$0x1FEA0]  }
0xd9: {  	v18 =	vmul.f32 v29, v2;
	v2 =	vld [tilespmem:$0x1FEE0]  }
0xda: {  	v0 =	vadd.f32 v0, v32  }
0xdb: {  	v42 =	vld.idx.msk [tilespmem:v54+s2+$0x0], $0xffff  }
0xdc: {  	v34 =	vadd.s32 $0x4003, v26;
	v0 =	vadd.f32 v0, v55;
	v59 =	vadd.f32 v9, v59;
	v9 =	vld.idx.msk [tilespmem:v3+s2+$0x0], $0xffff  }
0xdd: {  	v49 =	vmov v14;
	v14 =	vmul.f32 v29, v5;
	v3 =	vld [tilespmem:$0x1FF00]  }
0xde: {  	v54 =	vmovc v12;
	v0 =	vadd.f32 v0, v63;
	v12 =	vmul.f32 v29, v4;
	v29 =	vmul.f32 v29, v2;
	v2 =	vld [tilespmem:$0x1FEF0]  }
0xdf: {  	v46 =	vmov v27;
	v27 =	vmov v17;
	v1 =	vadd.f32 v1, v17;
	v17 =	vpop (erf)  }
0xe0: {  	v60 =	vadd.s32 $0x4003, v39;
	v0 =	vadd.f32 v0, v17  }
0xe1: {  	v7 =	vor.u32 $0x6, v6;
	v57 =	vld.idx.msk [tilespmem:v34+s2+$0x0], $0xffff  }
0xe2: {  	v6 =	vadd.s32 $0x2006, v53;
	v34 =	vadd.f32 v8, v45;
	v8 =	vpop (erf);
	(erf) = vrcp.f32 v0;
	v0 =	vld [tilespmem:$0x1FF10]  }
0xe3: {  	v3 =	vadd.f32 v2, v3;
	v2 =	vld [tilespmem:$0x1FF20]  }
0xe4: {  	v48 =	vld [tilespmem:$0x1FF40];
	v4 =	vadd.s32 $0x2005, v37  }
0xe5: {  	v60 =	vld.idx.msk [tilespmem:v60+s2+$0x0], $0xffff  }
0xe6: {  	v5 =	vadd.s32 $0x4004, v21;
	v7 =	vld.idx.msk [tilespmem:v7+s2+$0x0], $0xffff;
	v1 =	vadd.f32 v1, v35  }
0xe7: {  	v6 =	vld.idx.msk [tilespmem:v6+s2+$0x0], $0xffff  }
0xe8: {  	v1 =	vadd.f32 v1, v30;
	v0 =	vadd.f32 v0, v2;
	v2 =	vld [tilespmem:$0x1FF30]  }
0xe9: {  	v25 =	vadd.s32 $0x2000, v25;
	v45 =	vld.idx.msk [tilespmem:v4+s2+$0x0], $0xffff;
	[tilespmem:s28+$0x14130] =	vst v12  }
0xea: {  	v1 =	vadd.f32 v1, v8;
	[tilespmem:s28+$0xC430] =	vst v16  }
0xeb: {  	v5 =	vld.idx.msk [tilespmem:v5+s2+$0x0], $0xffff;
	[tilespmem:s28+$0xDD30] =	vst v14  }
0xec: {  	v42 =	vadd.f32 v11, v42;
	(erf) = vrcp.f32 v1;
	v14 =	vadd.s32 $0x2006, v20;
	v1 =	vld [tilespmem:$0x1FF50];
	[tilespmem:s28+$0xF630] =	vst v15  }
0xed: {  	v51 =	vadd.s32 $0x2005, v20;
	v60 =	vadd.f32 v60, v58;
	[tilespmem:s28+$0x10F30] =	vst v18;
	v2 =	vadd.f32 v2, v48  }
0xee: {  	v6 =	vadd.f32 v6, v7;
	v4 =	vadd.s32 $0x4004, v39;
	v9 =	vadd.f32 v45, v9;
	v12 =	vld.idx.msk [tilespmem:v25+s2+$0x0], $0xffff;
	[tilespmem:s28+$0x12830] =	vst v29  }
0xef: {  	v0 =	vadd.f32 v19, v0;
	v19 =	vadd.s32 $0x4000, v22;
	v11 =	vld [tilespmem:$0x1FF60];
	v48 =	vadd.f32 v50, v2;
	v50 =	vpop (erf)  }
0xf0: {  	v28 =	vadd.f32 v28, v3;
	v3 =	vadd.f32 v5, v62;
	v16 =	vor.u32 $0x6, v10;
	v22 =	vld.idx.msk [tilespmem:v23+s2+$0x0], $0xffff;
	v23 =	vpop (erf)  }
0xf1: {  	v25 =	vadd.s32 $0x4005, v21;
	v58 =	vld.idx.msk [tilespmem:v14+s2+$0x0], $0xffff;
	v14 =	vmul.f32 v50, v40;
	v5 =	vmul.f32 v23, v36  }
0xf2: {  	v51 =	vld.idx.msk [tilespmem:v51+s2+$0x0], $0xffff;
	v18 =	vadd.s32 $0x4006, v21;
	[tilespmem:s28+$0xAB00] =	vst v28;
	v7 =	vmul.f32 v23, v56;
	v62 =	vmul.f32 v23, v52  }
0xf3: {  	v4 =	vld.idx.msk [tilespmem:v4+s2+$0x0], $0xffff;
	v15 =	vadd.s32 $0x4004, v26;
	[tilespmem:s28+$0xAB10] =	vst v0;
	v29 =	vmul.f32 v23, v47;
	v45 =	vmul.f32 v23, v24  }
0xf4: {  	v19 =	vld.idx.msk [tilespmem:v19+s2+$0x0], $0xffff;
	[tilespmem:s28+$0xAB30] =	vst v11;
	v33 =	vmul.f32 v23, v33;
	v23 =	vmul.f32 v50, v38  }
0xf5: {  	v16 =	vld.idx.msk [tilespmem:v16+s2+$0x0], $0xffff;
	v12 =	vadd.f32 v12, v22;
	[tilespmem:s29+$0xC430] =	vst v14  }
0xf6: {  	s1 =	sand.u32 $0x1FC0, s2;
	v25 =	vld.idx.msk [tilespmem:v25+s2+$0x0], $0xffff;
	[tilespmem:s29+$0x14130] =	vst v23;
	v23 =	vadd.s32 $0x4005, v39  }
0xf7: {  	v52 =	vld.idx.msk [tilespmem:v18+s2+$0x0], $0xffff;
	[tilespmem:s1+$0xC400] =	vst v5  }
0xf8: {  	v15 =	vld.idx.msk [tilespmem:v15+s2+$0x0], $0xffff;
	v28 =	vpop (erf);
	[tilespmem:s1+$0xDD00] =	vst v7  }
0xf9: {  	v11 =	vmul.f32 v28, v55;
	v55 =	vadd.f32 v19, v12;
	v12 =	vpop (erf);
	v24 =	vld [tilespmem:$0x1FF80]  }
0xfa: {  	v4 =	vadd.f32 v4, v44;
	v0 =	vadd.s32 $0x2006, v37;
	v14 =	vmul.f32 v12, v27;
	v27 =	vld [tilespmem:$0x1FF70]  }
0xfb: {  	v7 =	vadd.f32 v58, v16;
	v58 =	vmul.f32 v12, v54;
	v54 =	vmul.f32 v12, v61;
	v61 =	vld.idx.msk [tilespmem:v23+s2+$0x0], $0xffff  }
0xfc: {  	v2 =	vadd.f32 v51, v13;
	v13 =	vadd.s32 $0x4006, v39;
	v23 =	vadd.f32 v52, v6;
	v6 =	vld [tilespmem:$0x1FF90]  }
0xfd: {  	v22 =	vor.u32 $0x6, v46;
	v38 =	vmul.f32 v28, v49;
	v44 =	vmul.f32 v28, v31  }
0xfe: {  	v40 =	vadd.s32 $0x4005, v26;
	v47 =	vmul.f32 v28, v32;
	v49 =	vmul.f32 v28, v63  }
0xff: {  	v5 =	vmul.f32 v28, v17;
	v28 =	vadd.f32 v15, v59;
	v15 =	vmax.f32 v24, v27  }
0x100: {  	v63 =	vmul.f32 v12, v35;
	v18 =	vmul.f32 v12, v8;
	v8 =	vmax.f32 v15, v34  }
0x101: {  	v35 =	vadd.f32 v25, v42;
	v25 =	vmul.f32 v50, v6;
	v6 =	vmax.f32 v8, v3;
	v8 =	vld.idx.msk [tilespmem:v13+s2+$0x0], $0xffff  }
0x102: {  	v36 =	vadd.s32 $0x4006, v26;
	v13 =	vld [tilespmem:$0x1FFA0]  }
0x103: {  	v19 =	vmul.f32 v12, v30;
	v12 =	vld.idx.msk [tilespmem:v40+s2+$0x0], $0xffff;
	[tilespmem:s1+$0xF600] =	vst v62  }
0x104: {  	v0 =	vld.idx.msk [tilespmem:v0+s2+$0x0], $0xffff;
	[tilespmem:s1+$0x10F00] =	vst v29  }
0x105: {  	v56 =	vld.idx.msk [tilespmem:v22+s2+$0x0], $0xffff;
	[tilespmem:s1+$0x12800] =	vst v45  }
0x106: {  	v6 =	vmax.f32 v6, v35;
	v29 =	vld [tilespmem:$0x1FFC0]  }
0x107: {  	v16 =	vmul.f32 v50, v41;
	v22 =	vmul.f32 v50, v13;
	v13 =	vld.idx.msk [tilespmem:v36+s2+$0x0], $0xffff;
	v36 =	vmax.f32 v6, v23  }
0x108: {  	v41 =	vadd.f32 v12, v9;
	v12 =	vadd.s32 $0x2000, v37;
	v6 =	vsub.f32 v24, v36;
	v24 =	vld [tilespmem:$0x1FFB0];
	[tilespmem:s1+$0x14100] =	vst v33  }
0x109: {  	v40 =	vadd.f32 v61, v2;
	v2 =	vadd.s32 $0x2000, v53;
	[tilespmem:s28+$0xC410] =	vst v38  }
0x10a: {  	v0 =	vadd.f32 v0, v56;
	[tilespmem:s28+$0xDD10] =	vst v44  }
0x10b: {  	v30 =	vld [tilespmem:$0x1FFE0]  }
0x10c: {  	v15 =	vmul.f32 v50, v43;
	v50 =	vadd.f32 v13, v0;
	v13 =	vld [tilespmem:$0x1FFD0]  }
0x10d: {  	v20 =	vadd.s32 $0x2000, v20;
	v32 =	vld.idx.msk [tilespmem:v12+s2+$0x0], $0xffff  }
0x10e: {  	v1 =	vadd.f32 v57, v1;
	v12 =	vadd.s32 $0x4000, v26;
	v33 =	vld.idx.msk [tilespmem:v2+s2+$0x0], $0xffff;
	v2 =	vsub.f32 v27, v36;
	[tilespmem:s28+$0xF610] =	vst v47  }
0x10f: {  	v17 =	vadd.f32 v8, v7;
	v6 =	vmul.f32 $1.442695020e+00, v6;
	[tilespmem:s28+$0x10F10] =	vst v11;
	v9 =	vmax.f32 v29, v24  }
0x110: {  	v7 =	vadd.s32 $0x4000, v21;
	v2 =	vmul.f32 $1.442695020e+00, v2;
	[tilespmem:s28+$0x12810] =	vst v49;
	v9 =	vmax.f32 v9, v60  }
0x111: {  	(erf) = vpow2.f32 v6;
	v11 =	vld [tilespmem:$0x1FFF0];
	v0 =	vmax.f32 v9, v4;
	v6 =	vmax.f32 v13, v30  }
0x112: {  	v42 =	vld.idx.msk [tilespmem:v20+s2+$0x0], $0xffff;
	v9 =	vadd.s32 $0x4000, v39;
	v0 =	vmax.f32 v0, v40;
	v6 =	vmax.f32 v6, v1  }
0x113: {  	v43 =	vld.idx.msk [tilespmem:v10+s2+$0x0], $0xffff;
	v21 =	vsub.f32 v34, v36;
	v0 =	vmax.f32 v0, v17;
	v6 =	vmax.f32 v6, v28  }
0x114: {  	v27 =	vld.idx.msk [tilespmem:v46+s2+$0x0], $0xffff;
	(erf) = vpow2.f32 v2;
	v8 =	vsub.f32 v29, v0;
	v6 =	vmax.f32 v6, v41  }
0x115: {  	[tilespmem:s28+$0x14110] =	vst v5;
	v2 =	vsub.f32 v24, v0;
	v10 =	vsub.f32 v60, v0;
	v20 =	vmax.f32 v6, v50  }
0x116: {  	v34 =	vld.idx.msk [tilespmem:v7+s2+$0x0], $0xffff;
	v7 =	vsub.f32 v3, v36;
	[tilespmem:s28+$0xC420] =	vst v58;
	v6 =	vmul.f32 $1.442695020e+00, v8;
	v5 =	vsub.f32 v13, v20  }
0x117: {  	[tilespmem:s28+$0xDD20] =	vst v54;
	v29 =	vld.idx.msk [tilespmem:v9+s2+$0x0], $0xffff;
	v3 =	vmul.f32 $1.442695020e+00, v10;
	v8 =	vmul.f32 $1.442695020e+00, v2;
	v13 =	vsub.f32 v30, v20  }
0x118: {  	v26 =	vld.idx.msk [tilespmem:v12+s2+$0x0], $0xffff;
	[tilespmem:s28+$0xF620] =	vst v14;
	v4 =	vsub.f32 v4, v0;
	(erf) = vpow2.f32 v6;
	v6 =	vmul.f32 $1.442695020e+00, v5  }
0x119: {  	s31 =	simm.s32 $0x4;
	s30 =	simm.s32 $0x0;
	s1 =	simm.s32 $0x200;
	[tilespmem:s28+$0x10F20] =	vst v63;
	v39 =	vld.idx.msk [tilespmem:v11+s2+$0x0], $0xffff;
	v2 =	vmul.f32 $1.442695020e+00, v13;
	v5 =	vsub.f32 v1, v20;
	v1 =	vmul.f32 $1.442695020e+00, v21  }
.LBB2_2:
0x11a: {  	[tilespmem:$0x1FD20] =	vst v32  }
0x11b: {  	[tilespmem:$0x1FD50] =	vst v34  }
0x11c: {  	[tilespmem:$0x1FD70] =	vst v29  }
0x11d: {  	[tilespmem:s28+$0x14120] =	vst v18  }
0x11e: {  	s0 =	sshra.s32 s1, $0x2;
	[tilespmem:s28+$0xAB20] =	vst v48  }
0x11f: {  	(erf) = vpow2.f32 v8;
	[tilespmem:s28+$0x12820] =	vst v19;
	v8 =	vld [tilespmem:s0+$0x9230]  }
0x120: {  	v9 =	vsub.f32 v28, v20;
	v5 =	vmul.f32 $1.442695020e+00, v5;
	(erf) = vpow2.f32 v6;
	v6 =	vld [tilespmem:s0+$0x6030];
	[tilespmem:s29+$0xDD30] =	vst v25  }
0x121: {  	v12 =	vsub.f32 v40, v0;
	v0 =	vsub.f32 v17, v0;
	[tilespmem:s29+$0xF630] =	vst v22;
	(erf) = vpow2.f32 v2  }
0x122: {  	v7 =	vmul.f32 $1.442695020e+00, v7;
	[tilespmem:s29+$0x10F30] =	vst v16;
	(erf) = vpow2.f32 v1  }
0x123: {  	v13 =	vmul.f32 $1.442695020e+00, v9;
	v9 =	vsub.f32 v41, v20;
	[tilespmem:$0x1FBA0] =	vst v0;
	v0 =	vld [tilespmem:s0+$0x7910];
	(erf) = vpow2.f32 v3  }
0x124: {  	[tilespmem:s29+$0x12830] =	vst v15;
	v2 =	vld [tilespmem:s0+$0x6000];
	(erf) = vpow2.f32 v5;
	v5 =	vpop (erf)  }
0x125: {  	s28 =	smov.u32 s29;
	s29 =	smov.u32 s0;
	v1 =	vld [tilespmem:s0+$0x7900];
	v25 =	vshll.u32 v8, $0x3;
	v8 =	vmul.f32 $1.442695020e+00, v9;
	[tilespmem:$0x1FB80] =	vst v5  }
0x126: {  	v10 =	vsub.f32 v35, v36;
	v4 =	vmul.f32 $1.442695020e+00, v4;
	v5 =	vld [tilespmem:s29+$0x7930];
	[tilespmem:s28+$0xAB30] =	vst v55  }
0x127: {  	v3 =	vld [tilespmem:s0+$0x6010];
	(erf) = vpow2.f32 v7;
	v22 =	vshll.u32 v6, $0x3;
	v6 =	vadd.s32 $0x4004, v25;
	v7 =	vpop (erf);
	[tilespmem:$0x1FC00] =	vst v8  }
0x128: {  	v35 =	vsub.f32 v23, v36;
	v34 =	vshll.u32 v0, $0x3;
	v0 =	vld [tilespmem:s29+$0x9210];
	v23 =	vadd.s32 $0x4002, v25;
	[tilespmem:$0x1FB90] =	vst v7;
	v7 =	vpop (erf)  }
0x129: {  	(erf) = vpow2.f32 v4;
	v8 =	vshll.u32 v2, $0x3;
	v2 =	vld [tilespmem:s29+$0x6020];
	v4 =	vor.u32 $0x6, v22;
	[tilespmem:$0x1FBC0] =	vst v7  }
0x12a: {  	v16 =	vor.u32 $0x2, v22;
	v30 =	vshll.u32 v1, $0x3;
	v1 =	vld [tilespmem:s29+$0x7920];
	[tilespmem:$0x1FE30] =	vst v8;
	v9 =	vpop (erf)  }
0x12b: {  	(erf) = vpow2.f32 v13;
	v14 =	vor.u32 $0x1, v8;
	v7 =	vadd.s32 $0x4003, v25;
	v13 =	vld [tilespmem:s29+$0x9200];
	[tilespmem:$0x1FBD0] =	vst v9;
	v9 =	vpop (erf)  }
0x12c: {  	v36 =	vor.u32 $0x2, v8;
	[tilespmem:$0x1FBE0] =	vst v9;
	v9 =	vmov v8;
	v8 =	vadd.s32 $0x4001, v25;
	v11 =	vpop (erf);
	v41 =	vld.idx.msk [tilespmem:v6+s2+$0x0], $0xffff  }
0x12d: {  	v29 =	vmul.f32 $1.442695020e+00, v10;
	v32 =	vld.idx.msk [tilespmem:v23+s2+$0x0], $0xffff;
	[tilespmem:$0x1FBF0] =	vst v11;
	v11 =	vshll.u32 v5, $0x3;
	v5 =	vor.u32 $0x4, v22  }
0x12e: {  	[tilespmem:$0x1FD00] =	vst v43;
	v10 =	vmul.f32 $1.442695020e+00, v12;
	v6 =	vpop (erf);
	v12 =	vshll.u32 v2, $0x3;
	v43 =	vld.idx.msk [tilespmem:v4+s2+$0x0], $0xffff;
	v2 =	vadd.s32 $0x2004, v11  }
0x12f: {  	v53 =	vld.idx.msk [tilespmem:v16+s2+$0x0], $0xffff;
	[tilespmem:$0x1FC10] =	vst v6;
	v4 =	vpop (erf);
	v37 =	vshll.u32 v1, $0x3;
	v1 =	vor.u32 $0x3, v22  }
0x130: {  	v46 =	vld.idx.msk [tilespmem:v7+s2+$0x0], $0xffff;
	v6 =	vor.u32 $0x1, v22;
	[tilespmem:$0x1FC20] =	vst v4;
	v4 =	vpop (erf)  }
0x131: {  	[tilespmem:$0x1FD80] =	vst v26;
	v17 =	vadd.s32 $0x2002, v11;
	v7 =	vpop (erf);
	v26 =	vld.idx.msk [tilespmem:v8+s2+$0x0], $0xffff  }
0x132: {  	[tilespmem:$0x1FC50] =	vst v7;
	v7 =	vadd.s32 $0x2001, v11;
	v52 =	vld.idx.msk [tilespmem:v5+s2+$0x0], $0xffff  }
0x133: {  	[tilespmem:$0x1FBB0] =	vst v10;
	v18 =	vadd.s32 $0x2003, v11;
	v8 =	vpop (erf);
	v2 =	vld.idx.msk [tilespmem:v2+s2+$0x0], $0xffff  }
0x134: {  	v10 =	vshll.u32 v3, $0x3;
	v3 =	vor.u32 $0x5, v22;
	[tilespmem:$0x1FC60] =	vst v8;
	v8 =	vmov v50;
	v50 =	vld.idx.msk [tilespmem:v1+s2+$0x0], $0xffff  }
0x135: {  	v56 =	vadd.s32 $0x2005, v11;
	v19 =	vld.idx.msk [tilespmem:v6+s2+$0x0], $0xffff  }
0x136: {  	v57 =	vadd.s32 $0x2006, v11;
	v58 =	vld.idx.msk [tilespmem:v17+s2+$0x0], $0xffff  }
0x137: {  	v59 =	vadd.s32 $0x4005, v25;
	v51 =	vld.idx.msk [tilespmem:v7+s2+$0x0], $0xffff  }
0x138: {  	[tilespmem:$0x1FCD0] =	vst v39;
	v61 =	vadd.s32 $0x4006, v25;
	v54 =	vshll.u32 v0, $0x3;
	v0 =	vadd.s32 $0x2004, v34;
	v60 =	vld.idx.msk [tilespmem:v18+s2+$0x0], $0xffff  }
0x139: {  	[tilespmem:$0x1FC30] =	vst v0;
	v55 =	vshll.u32 v13, $0x3;
	v0 =	vor.u32 $0x4, v12;
	v3 =	vld.idx.msk [tilespmem:v3+s2+$0x0], $0xffff  }
0x13a: {  	[tilespmem:$0x1FC70] =	vst v0;
	v0 =	vadd.s32 $0x4003, v55;
	v62 =	vld.idx.msk [tilespmem:v56+s2+$0x0], $0xffff  }
0x13b: {  	v15 =	vadd.s32 $0x2001, v30;
	[tilespmem:$0x1FC90] =	vst v0;
	v0 =	vor.u32 $0x5, v9;
	v63 =	vld.idx.msk [tilespmem:v57+s2+$0x0], $0xffff  }
0x13c: {  	v59 =	vld.idx.msk [tilespmem:v59+s2+$0x0], $0xffff;
	[tilespmem:$0x1FCA0] =	vst v0;
	v0 =	vadd.s32 $0x4003, v54;
	v53 =	vadd.f32 v58, v53;
	v51 =	vadd.f32 v51, v19  }
0x13d: {  	v24 =	vadd.s32 $0x2001, v37;
	v5 =	vpop (erf);
	[tilespmem:$0x1FCB0] =	vst v0;
	v58 =	vld.idx.msk [tilespmem:v61+s2+$0x0], $0xffff;
	v50 =	vadd.f32 v60, v50;
	v2 =	vadd.f32 v2, v52  }
0x13e: {  	v0 =	vor.u32 $0x5, v10;
	[tilespmem:$0x1FC80] =	vst v5;
	v32 =	vadd.f32 v32, v53;
	v26 =	vadd.f32 v26, v51  }
0x13f: {  	[tilespmem:$0x1FCC0] =	vst v0;
	v0 =	vor.u32 $0x5, v12;
	v3 =	vadd.f32 v62, v3;
	v46 =	vadd.f32 v46, v50  }
0x140: {  	v60 =	vld.idx.msk [tilespmem:v14+s2+$0x0], $0xffff;
	v14 =	vadd.f32 v63, v43;
	v53 =	vadd.f32 v41, v2;
	v2 =	vmax.f32 v26, v32  }
0x141: {  	[tilespmem:$0x1FCE0] =	vst v0;
	v0 =	vadd.s32 $0x2005, v37;
	v3 =	vadd.f32 v59, v3;
	v51 =	vld.idx.msk [tilespmem:v15+s2+$0x0], $0xffff;
	v15 =	vmax.f32 v2, v46  }
0x142: {  	[tilespmem:$0x1FD30] =	vst v0;
	v0 =	vadd.s32 $0x4004, v55;
	v58 =	vadd.f32 v58, v14;
	v14 =	vmax.f32 v15, v53  }
0x143: {  	v5 =	vor.u32 $0x3, v9;
	[tilespmem:$0x1FD40] =	vst v0;
	v0 =	vor.u32 $0x6, v9;
	v15 =	vmax.f32 v14, v3  }
0x144: {  	v39 =	vor.u32 $0x1, v12;
	[tilespmem:$0x1FD60] =	vst v0;
	v0 =	vadd.s32 $0x4004, v54;
	v61 =	vld [tilespmem:s29+$0x9220];
	v43 =	vmax.f32 v15, v58  }
0x145: {  	v44 =	vadd.s32 $0x2003, v30;
	[tilespmem:$0x1FD90] =	vst v0;
	v0 =	vadd.s32 $0x4005, v55;
	v26 =	vsub.f32 v26, v43  }
0x146: {  	v1 =	vadd.s32 $0x4005, v54;
	[tilespmem:$0x1FDA0] =	vst v0;
	v0 =	vsub.f32 v32, v43  }
0x147: {  	v38 =	vor.u32 $0x3, v10;
	[tilespmem:$0x1FDB0] =	vst v1;
	v1 =	vld.idx.msk [tilespmem:v24+s2+$0x0], $0xffff;
	v26 =	vmul.f32 $1.442695020e+00, v26  }
0x148: {  	v21 =	vor.u32 $0x3, v12;
	v5 =	vld.idx.msk [tilespmem:v5+s2+$0x0], $0xffff;
	v0 =	vmul.f32 $1.442695020e+00, v0  }
0x149: {  	v7 =	vor.u32 $0x4, v9;
	v2 =	vshll.u32 v61, $0x3;
	v14 =	vmovc v33;
	v33 =	vld.idx.msk [tilespmem:v39+s2+$0x0], $0xffff;
	(erf) = vpow2.f32 v26  }
0x14a: {  	v9 =	vadd.s32 $0x4005, v2;
	v46 =	vsub.f32 v46, v43;
	(erf) = vpow2.f32 v0;
	v0 =	vld.idx.msk [tilespmem:v44+s2+$0x0], $0xffff  }
0x14b: {  	v48 =	vadd.s32 $0x2003, v34;
	[tilespmem:$0x1FDC0] =	vst v9;
	v9 =	vadd.s32 $0x4006, v55  }
0x14c: {  	v38 =	vld.idx.msk [tilespmem:v38+s2+$0x0], $0xffff;
	[tilespmem:$0x1FDD0] =	vst v9;
	v9 =	vadd.s32 $0x4006, v54;
	v53 =	vsub.f32 v53, v43;
	v26 =	vmul.f32 $1.442695020e+00, v46  }
0x14d: {  	v28 =	vadd.s32 $0x2003, v37;
	v21 =	vld.idx.msk [tilespmem:v21+s2+$0x0], $0xffff;
	[tilespmem:$0x1FDE0] =	vst v9;
	v9 =	vadd.s32 $0x4006, v2  }
0x14e: {  	v3 =	vsub.f32 v3, v43;
	[tilespmem:$0x1FDF0] =	vst v9;
	v9 =	vld [tilespmem:$0x1FC00];
	v53 =	vmul.f32 $1.442695020e+00, v53;
	(erf) = vpow2.f32 v26  }
0x14f: {  	v1 =	vadd.f32 v1, v33;
	v33 =	vadd.f32 v0, v5;
	v5 =	vld [tilespmem:$0x1FBB0]  }
0x150: {  	v26 =	vld.idx.msk [tilespmem:v48+s2+$0x0], $0xffff;
	(erf) = vpow2.f32 v53  }
0x151: {  	v51 =	vadd.f32 v51, v60;
	v60 =	vsub.f32 v58, v43;
	v3 =	vmul.f32 $1.442695020e+00, v3;
	v0 =	vld [tilespmem:$0x1FBA0]  }
0x152: {  	v20 =	vsub.f32 v8, v20;
	v8 =	vld.idx.msk [tilespmem:v28+s2+$0x0], $0xffff;
	(erf) = vpow2.f32 v29  }
0x153: {  	v29 =	vmul.f32 $1.442695020e+00, v60;
	(erf) = vpow2.f32 v3  }
0x154: {  	v35 =	vmul.f32 $1.442695020e+00, v35;
	v31 =	vadd.s32 $0x4002, v54;
	(erf) = vpow2.f32 v5;
	v5 =	vld.idx.msk [tilespmem:v7+s2+$0x0], $0xffff;
	v7 =	vpop (erf)  }
0x155: {  	[tilespmem:$0x1FCF0] =	vst v42;
	v42 =	vor.u32 $0x1, v10;
	v26 =	vadd.f32 v26, v38;
	(erf) = vpow2.f32 v29;
	v38 =	vpop (erf)  }
0x156: {  	v0 =	vmul.f32 $1.442695020e+00, v0;
	(erf) = vpow2.f32 v9;
	v58 =	vadd.f32 v38, v7  }
0x157: {  	v45 =	vadd.s32 $0x2001, v34;
	v8 =	vadd.f32 v8, v21;
	v21 =	vpop (erf);
	(erf) = vpow2.f32 v35  }
0x158: {  	(erf) = vpow2.f32 v0;
	v0 =	vadd.f32 v58, v21  }
0x159: {  	v17 =	vadd.s32 $0x4001, v54;
	v28 =	vld.idx.msk [tilespmem:v31+s2+$0x0], $0xffff;
	v35 =	vpop (erf)  }
0x15a: {  	v59 =	vld.idx.msk [tilespmem:v42+s2+$0x0], $0xffff;
	v31 =	vadd.f32 v0, v35;
	v0 =	vadd.s32 $0x2000, v37  }
0x15b: {  	[tilespmem:$0x1FE20] =	vst v0;
	v0 =	vld [tilespmem:$0x1FC70]  }
0x15c: {  	[tilespmem:$0x1FD10] =	vst v27;
	v27 =	vor.u32 $0x2, v12;
	v61 =	vld.idx.msk [tilespmem:v45+s2+$0x0], $0xffff;
	_ =	sdelay $0x1  }
0x15d: {  	v17 =	vld.idx.msk [tilespmem:v17+s2+$0x0], $0xffff;
	_ =	sdelay $0x1  }
0x15e: {  	v40 =	vadd.s32 $0x2002, v30  }
0x15f: {  	v6 =	vadd.s32 $0x4002, v55;
	v27 =	vld.idx.msk [tilespmem:v27+s2+$0x0], $0xffff;
	v59 =	vadd.f32 v61, v59  }
0x160: {  	v16 =	vadd.s32 $0x2004, v30;
	v56 =	vadd.s32 $0x2005, v30;
	v24 =	vld [tilespmem:$0x1FB90];
	v52 =	vadd.s32 $0x2006, v30  }
0x161: {  	v9 =	vadd.s32 $0x2000, v30;
	v30 =	vadd.f32 v17, v59;
	v17 =	vld.idx.msk [tilespmem:v0+s2+$0x0], $0xffff;
	v0 =	vadd.s32 $0x4000, v55  }
0x162: {  	[tilespmem:$0x1FE50] =	vst v0;
	v0 =	vld [tilespmem:$0x1FC90]  }
0x163: {  	v62 =	vld.idx.msk [tilespmem:v40+s2+$0x0], $0xffff  }
0x164: {  	v6 =	vld.idx.msk [tilespmem:v6+s2+$0x0], $0xffff  }
0x165: {  	v50 =	vld.idx.msk [tilespmem:v36+s2+$0x0], $0xffff  }
0x166: {  	v47 =	vor.u32 $0x2, v10;
	[tilespmem:$0x1FE40] =	vst v10;
	v18 =	vor.u32 $0x4, v10;
	v41 =	vor.u32 $0x6, v10;
	v10 =	vld [tilespmem:$0x1FC10]  }
0x167: {  	v32 =	vld [tilespmem:$0x1FBC0]  }
0x168: {  	v48 =	vld [tilespmem:$0x1FB80]  }
0x169: {  	v49 =	vadd.s32 $0x2002, v37;
	v46 =	vld [tilespmem:$0x1FBD0]  }
0x16a: {  	[tilespmem:$0x1FE00] =	vst v9;
	v59 =	vld.idx.msk [tilespmem:v0+s2+$0x0], $0xffff;
	v0 =	vadd.s32 $0x4000, v54  }
0x16b: {  	v9 =	vadd.s32 $0x2000, v34;
	[tilespmem:$0x1FE70] =	vst v0;
	v0 =	vld [tilespmem:$0x1FCA0]  }
0x16c: {  	[tilespmem:$0x1FE10] =	vst v9;
	v9 =	vld [tilespmem:$0x1FC50]  }
0x16d: {  	v13 =	vadd.s32 $0x4001, v55;
	v15 =	vld [tilespmem:$0x1FC20];
	v3 =	vadd.f32 v24, v48  }
0x16e: {  	v49 =	vld.idx.msk [tilespmem:v49+s2+$0x0], $0xffff;
	v50 =	vadd.f32 v62, v50  }
0x16f: {  	v61 =	vmul.f32 $1.442695020e+00, v20;
	v3 =	vadd.f32 v3, v10  }
0x170: {  	[tilespmem:$0x1FC40] =	vst v4;
	v4 =	vadd.s32 $0x2002, v34;
	v29 =	vadd.f32 v46, v32  }
0x171: {  	v16 =	vld.idx.msk [tilespmem:v16+s2+$0x0], $0xffff;
	(erf) = vpow2.f32 v61;
	v61 =	vadd.f32 v3, v9  }
0x172: {  	v13 =	vld.idx.msk [tilespmem:v13+s2+$0x0], $0xffff;
	v63 =	vadd.s32 $0x4001, v2;
	v60 =	vadd.f32 v29, v15;
	v29 =	vadd.f32 v6, v50;
	v50 =	vpop (erf)  }
0x173: {  	v27 =	vadd.f32 v49, v27;
	v49 =	vadd.f32 v61, v50;
	v61 =	vld.idx.msk [tilespmem:v0+s2+$0x0], $0xffff  }
0x174: {  	v0 =	vld [tilespmem:$0x1FCB0]  }
0x175: {  	v4 =	vld.idx.msk [tilespmem:v4+s2+$0x0], $0xffff  }
0x176: {  	v40 =	vld.idx.msk [tilespmem:v47+s2+$0x0], $0xffff  }
0x177: {  	v43 =	vld.idx.msk [tilespmem:v63+s2+$0x0], $0xffff  }
0x178: {  	v20 =	vld [tilespmem:$0x1FBE0]  }
0x179: {  	v6 =	vld [tilespmem:$0x1FC30]  }
0x17a: {  	v44 =	vld [tilespmem:$0x1FBF0]  }
0x17b: {  	v23 =	vadd.s32 $0x2004, v37;
	v36 =	vadd.s32 $0x4002, v2;
	v51 =	vadd.f32 v13, v51;
	v13 =	vld [tilespmem:$0x1FC40]  }
0x17c: {  	v39 =	vadd.s32 $0x2006, v37;
	v37 =	vadd.f32 v43, v1;
	v43 =	vld.idx.msk [tilespmem:v0+s2+$0x0], $0xffff;
	v0 =	vadd.s32 $0x4000, v2  }
0x17d: {  	[tilespmem:$0x1FE80] =	vst v0;
	v0 =	vld [tilespmem:$0x1FCC0];
	_ =	sdelay $0x1  }
0x17e: {  	v62 =	vadd.f32 v44, v20;
	v3 =	vld [tilespmem:$0x1FC60]  }
0x17f: {  	v4 =	vadd.f32 v4, v40;
	v36 =	vld.idx.msk [tilespmem:v36+s2+$0x0], $0xffff;
	v16 =	vadd.f32 v16, v5;
	v5 =	vpop (erf)  }
0x180: {  	v58 =	vpop (erf);
	v40 =	vld.idx.msk [tilespmem:v6+s2+$0x0], $0xffff;
	v6 =	vadd.f32 v62, v13;
	v62 =	vadd.f32 v31, v5  }
0x181: {  	v31 =	vadd.f32 v28, v4;
	v4 =	vld.idx.msk [tilespmem:v23+s2+$0x0], $0xffff;
	v23 =	vpop (erf)  }
0x182: {  	v54 =	vadd.f32 v62, v23  }
0x183: {  	v53 =	vadd.f32 v60, v3;
	v60 =	vpop (erf)  }
0x184: {  	v62 =	vpop (erf);
	(erf) = vrcp.f32 v54;
	v54 =	vadd.f32 v36, v27;
	v36 =	vld.idx.msk [tilespmem:v0+s2+$0x0], $0xffff  }
0x185: {  	v0 =	vld [tilespmem:$0x1FCD0];
	_ =	sdelay $0x3  }
0x186: {  	v57 =	vadd.s32 $0x2005, v34;
	v45 =	vadd.s32 $0x2006, v34;
	v34 =	vld [tilespmem:$0x1FC80]  }
0x187: {  	v14 =	vadd.f32 v14, v0;
	v0 =	vld [tilespmem:$0x1FCE0];
	_ =	sdelay $0x4  }
0x188: {  	v6 =	vadd.f32 v6, v34  }
0x189: {  	v19 =	vadd.s32 $0x4003, v2;
	v47 =	vadd.s32 $0x4004, v2;
	v2 =	vadd.f32 v49, v62  }
0x18a: {  	v1 =	vadd.f32 v6, v60;
	v6 =	vld [tilespmem:$0x1FD00];
	v28 =	vpop (erf)  }
0x18b: {  	v27 =	vpop (erf);
	(erf) = vrcp.f32 v2;
	v2 =	vadd.f32 v59, v33;
	v33 =	vld.idx.msk [tilespmem:v0+s2+$0x0], $0xffff  }
0x18c: {  	v0 =	vld [tilespmem:$0x1FCF0];
	_ =	sdelay $0x4  }
0x18d: {  	v49 =	vadd.f32 v0, v6;
	v0 =	vld [tilespmem:$0x1FD10]  }
0x18e: {  	v6 =	vld [tilespmem:$0x1FD20];
	_ =	sdelay $0x4  }
0x18f: {  	v59 =	vadd.f32 v6, v0;
	v0 =	vld [tilespmem:$0x1FD30];
	_ =	sdelay $0x2  }
0x190: {  	v56 =	vld.idx.msk [tilespmem:v56+s2+$0x0], $0xffff;
	_ =	sdelay $0x4  }
0x191: {  	v56 =	vadd.f32 v56, v61;
	v61 =	vld.idx.msk [tilespmem:v0+s2+$0x0], $0xffff  }
0x192: {  	v0 =	vld [tilespmem:$0x1FD40];
	_ =	sdelay $0x3  }
0x193: {  	v53 =	vadd.f32 v53, v58;
	_ =	sdelay $0x1  }
0x194: {  	v63 =	vadd.f32 v53, v28;
	_ =	sdelay $0x1  }
0x195: {  	(erf) = vrcp.f32 v63;
	v63 =	vld.idx.msk [tilespmem:v0+s2+$0x0], $0xffff  }
0x196: {  	v0 =	vld [tilespmem:$0x1FD50];
	_ =	sdelay $0x4  }
0x197: {  	v14 =	vadd.f32 v0, v14;
	v0 =	vld [tilespmem:$0x1FD60];
	_ =	sdelay $0x6  }
0x198: {  	v17 =	vadd.f32 v4, v17;
	v4 =	vld.idx.msk [tilespmem:v19+s2+$0x0], $0xffff  }
0x199: {  	v19 =	vld.idx.msk [tilespmem:v0+s2+$0x0], $0xffff  }
0x19a: {  	v0 =	vld [tilespmem:$0x1FD70];
	_ =	sdelay $0x1  }
0x19b: {  	v1 =	vadd.f32 v1, v27;
	_ =	sdelay $0x1  }
0x19c: {  	(erf) = vrcp.f32 v1  }
0x19d: {  	v1 =	vadd.f32 v43, v26;
	v26 =	vadd.s32 $0x2000, v11;
	v43 =	vadd.f32 v0, v49;
	v0 =	vld [tilespmem:$0x1FD80]  }
0x19e: {  	v25 =	vadd.s32 $0x4000, v25;
	_ =	sdelay $0x1  }
0x19f: {  	v4 =	vadd.f32 v4, v8;
	v8 =	vld.idx.msk [tilespmem:v22+s2+$0x0], $0xffff  }
0x1a0: {  	v49 =	vld.idx.msk [tilespmem:v52+s2+$0x0], $0xffff;
	v52 =	vpop (erf)  }
0x1a1: {  	v26 =	vld.idx.msk [tilespmem:v26+s2+$0x0], $0xffff;
	v6 =	vadd.f32 v0, v59;
	v0 =	vmul.f32 v52, v23  }
0x1a2: {  	v23 =	vld.idx.msk [tilespmem:v25+s2+$0x0], $0xffff  }
0x1a3: {  	[tilespmem:s29+$0x14130] =	vst v0;
	v0 =	vld [tilespmem:$0x1FD90];
	_ =	sdelay $0x5  }
0x1a4: {  	v18 =	vld.idx.msk [tilespmem:v18+s2+$0x0], $0xffff  }
0x1a5: {  	v53 =	vld.idx.msk [tilespmem:v57+s2+$0x0], $0xffff;
	[tilespmem:s28+$0xAB10] =	vst v43  }
0x1a6: {  	v25 =	vmul.f32 v52, v38;
	v38 =	vadd.f32 v63, v16;
	v16 =	vld.idx.msk [tilespmem:v0+s2+$0x0], $0xffff  }
0x1a7: {  	v0 =	vld [tilespmem:$0x1FDA0];
	_ =	sdelay $0x2  }
0x1a8: {  	[tilespmem:s28+$0xAB00] =	vst v14;
	v14 =	vpop (erf)  }
0x1a9: {  	s30 =	sadd.s32 $0x40, s30;
	v43 =	vmul.f32 v14, v48  }
0x1aa: {  	s0 =	sand.u32 $0x1FC0, s30;
	v36 =	vadd.f32 v53, v36;
	v53 =	vmul.f32 v14, v24  }
0x1ab: {  	[tilespmem:s0+$0xC400] =	vst v43  }
0x1ac: {  	[tilespmem:s0+$0xDD00] =	vst v53  }
0x1ad: {  	v63 =	vld.idx.msk [tilespmem:v0+s2+$0x0], $0xffff  }
0x1ae: {  	v0 =	vld [tilespmem:$0x1FDB0];
	_ =	sdelay $0x3  }
0x1af: {  	v57 =	vmax.f32 v37, v54;
	_ =	sdelay $0x1  }
0x1b0: {  	v22 =	vmul.f32 v52, v21  }
0x1b1: {  	v21 =	vadd.f32 v61, v33;
	v33 =	vmax.f32 v57, v4;
	v57 =	vpop (erf);
	v49 =	vadd.f32 v49, v19;
	v19 =	vld.idx.msk [tilespmem:v45+s2+$0x0], $0xffff  }
0x1b2: {  	v45 =	vmul.f32 v14, v50;
	v50 =	vmul.f32 v57, v32;
	v32 =	vld.idx.msk [tilespmem:v0+s2+$0x0], $0xffff  }
0x1b3: {  	v0 =	vld [tilespmem:$0x1FDC0];
	_ =	sdelay $0x5  }
0x1b4: {  	v8 =	vadd.f32 v26, v8;
	_ =	sdelay $0x1  }
0x1b5: {  	v55 =	vadd.f32 v23, v8;
	v23 =	vld.idx.msk [tilespmem:v0+s2+$0x0], $0xffff  }
0x1b6: {  	v43 =	vmul.f32 v14, v62;
	v0 =	vld [tilespmem:$0x1FDD0]  }
0x1b7: {  	v62 =	vmul.f32 v57, v15;
	v15 =	vmul.f32 v52, v5;
	v5 =	vld [tilespmem:$0x1FDF0];
	_ =	sdelay $0x3  }
0x1b8: {  	v7 =	vmul.f32 v52, v7;
	_ =	sdelay $0x1  }
0x1b9: {  	[tilespmem:s29+$0xC430] =	vst v7;
	v7 =	vmul.f32 v14, v10  }
0x1ba: {  	v0 =	vld.idx.msk [tilespmem:v0+s2+$0x0], $0xffff  }
0x1bb: {  	[tilespmem:s0+$0xF600] =	vst v7;
	v7 =	vld.idx.msk [tilespmem:v5+s2+$0x0], $0xffff  }
0x1bc: {  	v5 =	vld [tilespmem:$0x1FE00]  }
0x1bd: {  	v47 =	vld.idx.msk [tilespmem:v47+s2+$0x0], $0xffff;
	_ =	sdelay $0x2  }
0x1be: {  	v42 =	vor.u32 $0x6, v12;
	v26 =	vmul.f32 v57, v3  }
0x1bf: {  	v18 =	vadd.f32 v40, v18;
	v58 =	vmul.f32 v57, v58;
	v59 =	vmul.f32 v14, v9  }
0x1c0: {  	v53 =	vmul.f32 v57, v46;
	v57 =	vmul.f32 v57, v28;
	v28 =	vadd.f32 v47, v17  }
0x1c1: {  	v61 =	vpop (erf);
	v3 =	vld [tilespmem:$0x1FDE0];
	[tilespmem:s0+$0x10F00] =	vst v59  }
0x1c2: {  	v11 =	vadd.f32 v16, v18;
	v18 =	vmul.f32 v61, v27;
	v27 =	vmax.f32 v33, v28;
	v33 =	vld.idx.msk [tilespmem:v5+s2+$0x0], $0xffff  }
0x1c3: {  	v5 =	vld [tilespmem:$0x1FE10];
	_ =	sdelay $0x1  }
0x1c4: {  	v42 =	vld.idx.msk [tilespmem:v42+s2+$0x0], $0xffff  }
0x1c5: {  	v39 =	vld.idx.msk [tilespmem:v39+s2+$0x0], $0xffff;
	_ =	sdelay $0x3  }
0x1c6: {  	v17 =	vld.idx.msk [tilespmem:v3+s2+$0x0], $0xffff  }
0x1c7: {  	v3 =	vadd.f32 v39, v42;
	v42 =	vld.idx.msk [tilespmem:v5+s2+$0x0], $0xffff  }
0x1c8: {  	v5 =	vld [tilespmem:$0x1FE20];
	_ =	sdelay $0x5  }
0x1c9: {  	v40 =	vmax.f32 v30, v31  }
0x1ca: {  	v40 =	vmax.f32 v40, v1  }
0x1cb: {  	v48 =	vmax.f32 v40, v11;
	v40 =	vadd.f32 v32, v36;
	v32 =	vld.idx.msk [tilespmem:v5+s2+$0x0], $0xffff  }
0x1cc: {  	v5 =	vld [tilespmem:$0x1FE30];
	_ =	sdelay $0x4  }
0x1cd: {  	[tilespmem:s0+$0x12800] =	vst v45  }
0x1ce: {  	v41 =	vld.idx.msk [tilespmem:v41+s2+$0x0], $0xffff;
	[tilespmem:s0+$0x14100] =	vst v43  }
0x1cf: {  	[tilespmem:s28+$0xC410] =	vst v50;
	v50 =	vadd.f32 v7, v3;
	v3 =	vld [tilespmem:$0x1FE50]  }
0x1d0: {  	v39 =	vld.idx.msk [tilespmem:v5+s2+$0x0], $0xffff  }
0x1d1: {  	v5 =	vld [tilespmem:$0x1FE40];
	_ =	sdelay $0x3  }
0x1d2: {  	v8 =	vadd.f32 v19, v41  }
0x1d3: {  	v41 =	vadd.f32 v23, v21;
	v23 =	vadd.f32 v0, v49;
	v0 =	vmax.f32 v48, v40;
	v48 =	vmovc v6;
	v6 =	vld [tilespmem:$0x1FE70]  }
0x1d4: {  	[tilespmem:$0x1FE60] =	vst v51;
	v51 =	vmax.f32 v51, v29;
	v14 =	vmul.f32 v61, v34;
	v34 =	vld.idx.msk [tilespmem:v3+s2+$0x0], $0xffff  }
0x1d5: {  	v51 =	vmax.f32 v51, v2;
	[tilespmem:s28+$0xDD10] =	vst v53;
	v3 =	vld [tilespmem:$0x1FE60]  }
0x1d6: {  	v16 =	vmul.f32 v52, v35;
	v35 =	vadd.f32 v63, v56;
	v43 =	vld.idx.msk [tilespmem:v5+s2+$0x0], $0xffff;
	v5 =	vmax.f32 v27, v41  }
0x1d7: {  	v24 =	vmul.f32 v61, v20;
	v51 =	vmax.f32 v51, v38;
	v20 =	vmax.f32 v5, v50;
	v5 =	vld [tilespmem:$0x1FE80]  }
0x1d8: {  	v46 =	vmul.f32 v61, v13;
	v13 =	vmax.f32 v51, v35  }
0x1d9: {  	v17 =	vadd.f32 v17, v8;
	v36 =	vmax.f32 v13, v23  }
0x1da: {  	v7 =	vsub.f32 v29, v36  }
0x1db: {  	v44 =	vmul.f32 v61, v44;
	v0 =	vmax.f32 v0, v17;
	v3 =	vsub.f32 v3, v36;
	[tilespmem:s28+$0xF610] =	vst v62  }
0x1dc: {  	s31 =	sadd.s32 $0x4, s31;
	v8 =	vsub.f32 v31, v0;
	v10 =	vmul.f32 $1.442695020e+00, v7;
	v7 =	vsub.f32 v2, v36;
	[tilespmem:s28+$0x10F10] =	vst v26  }
0x1dd: {  	p0 =	slt.u32 s31, $0x18C;
	v19 =	vmul.f32 v61, v60;
	v3 =	vmul.f32 $1.442695020e+00, v3;
	v29 =	vld.idx.msk [tilespmem:v6+s2+$0x0], $0xffff;
	v6 =	vsub.f32 v30, v0;
	[tilespmem:s28+$0x12810] =	vst v58  }
.Ltmp0:
0x1de: {  	v13 =	vsub.f32 v1, v0;
	v8 =	vmul.f32 $1.442695020e+00, v8;
	v1 =	vmul.f32 $1.442695020e+00, v7;
	v27 =	vld.idx.msk [tilespmem:v12+s2+$0x0], $0xffff;
	[tilespmem:s28+$0x14110] =	vst v57;
	(pc) =	sbr.rel @p0 .LBB2_2-.Ltmp0, $4  }
0x1df: {  	(erf) = vpow2.f32 v3;
	v9 =	vsub.f32 v54, v20;
	v12 =	vmul.f32 $1.442695020e+00, v6;
	v26 =	vld.idx.msk [tilespmem:v5+s2+$0x0], $0xffff;
	[tilespmem:s28+$0xC420] =	vst v24  }
0x1e0: {  	v3 =	vmul.f32 $1.442695020e+00, v13;
	(erf) = vpow2.f32 v10;
	v5 =	vsub.f32 v37, v20;
	[tilespmem:s28+$0xDD20] =	vst v44  }
0x1e1: {  	v7 =	vsub.f32 v38, v36;
	v2 =	vmul.f32 $1.442695020e+00, v9;
	(erf) = vpow2.f32 v12;
	[tilespmem:s28+$0xF620] =	vst v46  }
0x1e2: {  	s1 =	sadd.s32 $0x100, s1;
	[tilespmem:s28+$0x10F20] =	vst v14;
	v6 =	vmul.f32 $1.442695020e+00, v5;
	v5 =	vsub.f32 v4, v20;
	v4 =	vsub.f32 v11, v0  }
0x1e3: {  	(erf) = vpow2.f32 v8  }
0x1e4: {  	(erf) = vpow2.f32 v6  }
0x1e5: {  	(erf) = vpow2.f32 v2  }
0x1e6: {  	v46 =	vmul.f32 $1.442695020e+00, v5;
	(erf) = vpow2.f32 v1  }
0x1e7: {  	v47 =	vsub.f32 v28, v20;
	v49 =	vmul.f32 $1.442695020e+00, v7;
	(erf) = vpow2.f32 v3  }
0x1e8: {  	v51 =	vsub.f32 v35, v36;
	v4 =	vmul.f32 $1.442695020e+00, v4;
	(erf) = vpow2.f32 v46  }
0x1e9: {  	v52 =	vsub.f32 v40, v0;
	v1 =	vmul.f32 $1.442695020e+00, v47;
	v53 =	vpop (erf);
	(erf) = vpow2.f32 v49  }
0x1ea: {  	v54 =	vsub.f32 v41, v20;
	v3 =	vmul.f32 $1.442695020e+00, v51;
	v56 =	vpop (erf);
	(erf) = vpow2.f32 v4  }
0x1eb: {  	v57 =	vsub.f32 v23, v36;
	v2 =	vmul.f32 $1.442695020e+00, v52;
	v58 =	vpop (erf);
	(erf) = vpow2.f32 v1  }
0x1ec: {  	v59 =	vmul.f32 $1.442695020e+00, v54;
	v60 =	vpop (erf);
	(erf) = vpow2.f32 v3  }
0x1ed: {  	v4 =	vmul.f32 $1.442695020e+00, v57;
	v61 =	vpop (erf);
	(erf) = vpow2.f32 v2  }
0x1ee: {  	v62 =	vpop (erf);
	(erf) = vpow2.f32 v59  }
0x1ef: {  	v63 =	vpop (erf);
	(erf) = vpow2.f32 v4  }
0x1f0: {  	v24 =	vpop (erf)  }
0x1f1: {  	v28 =	vsub.f32 v17, v0;
	v10 =	vadd.f32 v56, v53;
	v9 =	vpop (erf)  }
0x1f2: {  	v11 =	vpop (erf)  }
0x1f3: {  	v0 =	vmul.f32 $1.442695020e+00, v28;
	v10 =	vadd.f32 v10, v63;
	v12 =	vpop (erf)  }
0x1f4: {  	v13 =	vpop (erf)  }
0x1f5: {  	(erf) = vpow2.f32 v0;
	v30 =	vadd.f32 v10, v11;
	v31 =	vpop (erf)  }
0x1f6: {  	v14 =	vsub.f32 v50, v20;
	v35 =	vpop (erf)  }
0x1f7: {  	v36 =	vadd.f32 v60, v58;
	v0 =	vadd.f32 v30, v31;
	v21 =	vpop (erf)  }
0x1f8: {  	v14 =	vmul.f32 $1.442695020e+00, v14;
	v37 =	vpop (erf)  }
0x1f9: {  	v20 =	vadd.f32 v36, v24;
	v0 =	vadd.f32 v0, v37  }
0x1fa: {  	(erf) = vpow2.f32 v14  }
0x1fb: {  	v38 =	vadd.f32 v20, v12;
	(erf) = vrcp.f32 v0;
	_ =	sdelay $0x1  }
0x1fc: {  	[tilespmem:s28+$0x12820] =	vst v19;
	v14 =	vadd.f32 v38, v35  }
0x1fd: {  	[tilespmem:s28+$0x14120] =	vst v18;
	v40 =	vadd.f32 v62, v61;
	v41 =	vpop (erf)  }
0x1fe: {  	[tilespmem:s29+$0xDD30] =	vst v25;
	v14 =	vadd.f32 v14, v41  }
0x1ff: {  	[tilespmem:s29+$0xF630] =	vst v22;
	v0 =	vadd.f32 v40, v9  }
0x200: {  	[tilespmem:s29+$0x10F30] =	vst v16;
	v44 =	vadd.f32 v33, v39;
	(erf) = vrcp.f32 v14  }
0x201: {  	[tilespmem:s29+$0x12830] =	vst v15;
	v45 =	vadd.f32 v42, v43;
	v0 =	vadd.f32 v0, v13  }
0x202: {  	[tilespmem:s28+$0xAB20] =	vst v48;
	v16 =	vadd.f32 v34, v44;
	v46 =	vpop (erf)  }
0x203: {  	[tilespmem:s29+$0xAB30] =	vst v55;
	v14 =	vadd.f32 v29, v45;
	v0 =	vadd.f32 v0, v21;
	v47 =	vpop (erf)  }
0x204: {  	s0 =	sadd.s32 $0x40, s30;
	[tilespmem:s29+$0xAB00] =	vst v16;
	v6 =	vmul.f32 v47, v53  }
0x205: {  	s0 =	sand.u32 $0x1FC0, s0;
	[tilespmem:s29+$0xAB10] =	vst v14;
	v0 =	vadd.f32 v0, v46;
	v7 =	vmul.f32 v47, v56  }
0x206: {  	v48 =	vmul.f32 v47, v63;
	[tilespmem:s0+$0xC400] =	vst v6  }
0x207: {  	(erf) = vrcp.f32 v0;
	v49 =	vmul.f32 v47, v11;
	[tilespmem:s0+$0xDD00] =	vst v7  }
0x208: {  	v50 =	vmul.f32 v47, v31;
	[tilespmem:s0+$0xF600] =	vst v48  }
0x209: {  	v52 =	vmul.f32 v47, v37;
	v51 =	vpop (erf);
	[tilespmem:s0+$0x10F00] =	vst v49  }
0x20a: {  	[tilespmem:s0+$0x12800] =	vst v50;
	v53 =	vmul.f32 v51, v58  }
0x20b: {  	[tilespmem:s0+$0x14100] =	vst v52;
	v5 =	vmul.f32 v51, v60  }
0x20c: {  	v4 =	vmul.f32 v51, v24;
	[tilespmem:s29+$0xC410] =	vst v53  }
0x20d: {  	v54 =	vmul.f32 v51, v12;
	[tilespmem:s29+$0xDD10] =	vst v5  }
0x20e: {  	v55 =	vmul.f32 v51, v35;
	v60 =	vadd.f32 v32, v27;
	[tilespmem:s29+$0xF610] =	vst v4  }
0x20f: {  	v0 =	vmul.f32 v51, v41;
	[tilespmem:s29+$0x10F10] =	vst v54  }
0x210: {  	[tilespmem:s29+$0x12810] =	vst v55;
	v63 =	vadd.f32 v26, v60;
	v56 =	vpop (erf)  }
0x211: {  	[tilespmem:s29+$0x14110] =	vst v0;
	v57 =	vmul.f32 v56, v61  }
0x212: {  	[tilespmem:s29+$0xAB20] =	vst v63;
	v2 =	vmul.f32 v56, v62  }
0x213: {  	v58 =	vmul.f32 v56, v9;
	[tilespmem:s29+$0xC420] =	vst v57  }
0x214: {  	v59 =	vmul.f32 v56, v13;
	[tilespmem:s29+$0xDD20] =	vst v2  }
0x215: {  	v61 =	vmul.f32 v56, v21;
	[tilespmem:s29+$0xF620] =	vst v58  }
0x216: {  	v62 =	vmul.f32 v56, v46;
	[tilespmem:s29+$0x10F20] =	vst v59  }
0x217: {  	[tilespmem:s29+$0x12820] =	vst v61  }
0x218: {  	[tilespmem:s29+$0x14120] =	vst v62  }
0x219: {  	[hbm4b:s7+s2] =	stream.linear.scatter [tilespmem:s19], [sflag:$0x1], $0x1900, $0x38;
	[tilespmem:$0x15A00] =	vst v63  }
0x21a: {  	_ =	swait.ge [sflag:s15], $0x1900  }
0x21b: {  	[sflag:s15] =	ssyncset.done $0x0  }
0x21c: {  	[sflag:s15] =	ssyncadd.s32 $0xFFFFE700  }
0x21d: {  	[hbm4b:s8+s2] =	stream.linear.scatter [tilespmem:s20], [sflag:$0x1], $0x1900, $0x38;
	[tilespmem:$0x15A00] =	vst v63  }
0x21e: {  	_ =	swait.ge [sflag:s15], $0x1900  }
0x21f: {  	[sflag:s15] =	ssyncset.done $0x0  }
0x220: {  	[sflag:s15] =	ssyncadd.s32 $0xFFFFE700  }
0x221: {  	[hbm4b:s9+s2] =	stream.linear.scatter [tilespmem:s21], [sflag:$0x1], $0x1900, $0x38;
	[tilespmem:$0x15A00] =	vst v63  }
0x222: {  	_ =	swait.ge [sflag:s15], $0x1900  }
0x223: {  	[sflag:s15] =	ssyncset.done $0x0  }
0x224: {  	[sflag:s15] =	ssyncadd.s32 $0xFFFFE700  }
0x225: {  	[hbm4b:s10+s2] =	stream.linear.scatter [tilespmem:s22], [sflag:$0x1], $0x1900, $0x38;
	[tilespmem:$0x15A00] =	vst v63  }
0x226: {  	_ =	swait.ge [sflag:s15], $0x1900  }
0x227: {  	[sflag:s15] =	ssyncset.done $0x0  }
0x228: {  	[sflag:s15] =	ssyncadd.s32 $0xFFFFE700  }
0x229: {  	[hbm4b:s11+s2] =	stream.linear.scatter [tilespmem:s23], [sflag:$0x1], $0x1900, $0x38;
	[tilespmem:$0x15A00] =	vst v63  }
0x22a: {  	_ =	swait.ge [sflag:s15], $0x1900  }
0x22b: {  	[sflag:s15] =	ssyncset.done $0x0  }
0x22c: {  	[sflag:s15] =	ssyncadd.s32 $0xFFFFE700  }
0x22d: {  	[hbm4b:s12+s2] =	stream.linear.scatter [tilespmem:s24], [sflag:$0x1], $0x1900, $0x38;
	[tilespmem:$0x15A00] =	vst v63  }
0x22e: {  	s26 =	sadd.s32 $0x1, s26;
	_ =	swait.ge [sflag:s15], $0x1900  }
0x22f: {  	p0 =	sne.s32 s26, s14;
	[sflag:s15] =	ssyncset.done $0x0  }
.Ltmp1:
0x230: {  	[sflag:s15] =	ssyncadd.s32 $0xFFFFE700;
	(pc) =	sbr.rel @p0 .LBB2_1-.Ltmp1, $4  }
0x231: {  	[hbm4b:s13+s2] =	stream.linear.scatter [tilespmem:s25], [sflag:$0x1], $0x1900, $0x38;
	[tilespmem:$0x15A00] =	vst v63  }
0x232: {  	_ =	swait.ge [sflag:s15], $0x1900  }
0x233: {  	[sflag:s15] =	ssyncset.done $0x0  }
0x234: {  	[sflag:s15] =	ssyncadd.s32 $0xFFFFE700  }
0x235: {  	_ =	sfence.sel $0x180000  }
0x236: {  	[bflag:$0x0] =	sbarrier.arrive $0xFFFF  }
0x237: {  	_ =	strace $0x90000047  }
0x238: {  	s0 =	stileid.u32;
	[bflag:$0x2] =	sbarrier.arrive $0xFFFF  }
0x239: {  	p0 =	sne.s32 s0, $0x0;
	s0 =	rddreg [dreg:$0x3]  }
0x23a: {  	s0 =	sadd.s32 @!p0 $0x100000, s0  }
0x23b: {  	[sflag:s0] =	ssyncadd.tile.s32 @!p0 $0x1;
	_ =	shalt  }
.Lfunc_end2:
_tile_overlayer_lowered:
.L_overlay_start_2:
0x23c: {  	(tag) =	ssettag $0x2  }
0x23d: {  	s0 =	rddreg [dreg:$0x0];
	s2 =	stileid.u32  }
0x23e: {  	s1 =	rddreg [dreg:$0x1];
	p0 =	sne.s32 s2, $0x0  }
0x23f: {  	s3 =	rddreg [dreg:$0x2];
	[bflag:$0x3] =	sbarrier.arrive $0xFFFF;
	s2 =	simm.s32 @!p0 $0x1C01  }
0x240: {  	[timem:s3], [sflag:s2] =	dma.local @!p0 [hbm:s0], s1  }
0x241: {  	s0 =	simm.s32 @!p0 $0x1  }
0x242: {  	_ =	swait.ge @!p0 [sflag:s0], s1  }
0x243: {  	s1 =	ssub.s32 @!p0 $0x0, s1;
	[sflag:s0] =	ssyncset.done @!p0 $0x0  }
0x244: {  	[sflag:s0] =	ssyncadd.s32 @!p0 s1  }
0x245: {  	[bflag:$0x3] =	sbarrier.arrive $0xFFFF  }
0x246: {  	_ =	shalt  }

</sc_bundles>
